<compile_context>
chip_gen: v7x
topology: tpu7x:2x2x1
jax: 0.10.2.dev20260603
libtpu: 0.0.44.dev20260713+nightly
codegen_flags: <defaults>
</compile_context>

<pallas_src>
import jax
import jax.numpy as jnp
from jax import lax
from jax.experimental import pallas as pl
from jax.experimental.pallas import tpu as pltpu
from jax.experimental.pallas import tpu_sc as plsc

B = 4
E = 8
C = 512
HW = 256
T = B * HW
EPAD = 128
BLK = 128
NB = T // BLK + E
PAD = NB * BLK
NC, NS, L = 2, 16, 16
NW = NC * NS
CH = T // NW
NV = T // L


def _gate_body(tok_ref, gw1_ref, gb1_ref, gw2_ref, gb2_ref,
               idx_ref, p_ref):
    tok = tok_ref[...]
    g1 = jax.nn.gelu(
        jax.lax.dot_general(tok, gw1_ref[...], (((1,), (0,)), ((), ())),
                            preferred_element_type=jnp.float32)
        + gb1_ref[...])
    gw2p = jnp.concatenate(
        [gw2_ref[...], jnp.zeros((C, EPAD - E), jnp.float32)], axis=1)
    logits = jax.lax.dot_general(g1, gw2p, (((1,), (0,)), ((), ())),
                                 preferred_element_type=jnp.float32)
    logits = logits + jnp.concatenate(
        [gb2_ref[...], jnp.zeros((1, EPAD - E), jnp.float32)], axis=1)
    col = jax.lax.broadcasted_iota(jnp.int32, (T, EPAD), 1)
    logits = jnp.where(col < E, logits, -1e30)
    m = jnp.max(logits, axis=1, keepdims=True)
    ex = jnp.exp(logits - m)
    denom = jnp.sum(ex, axis=1, keepdims=True)
    p_ref[...] = 1.0 / denom
    idx_ref[...] = jnp.min(jnp.where(logits == m, col, EPAD),
                           axis=1, keepdims=True).reshape(T // EPAD, EPAD)


def _gate(tok, gate_w1, gate_b1, gate_w2, gate_b2):
    return pl.pallas_call(
        _gate_body,
        out_shape=(jax.ShapeDtypeStruct((T // EPAD, EPAD), jnp.int32),
                   jax.ShapeDtypeStruct((T, 1), jnp.float32)),
    )(tok, gate_w1, gate_b1.reshape(1, C), gate_w2, gate_b2.reshape(1, E))


def _vgather(v, i):
    return lax.gather(
        v, i[:, None],
        lax.GatherDimensionNumbers(offset_dims=(), collapsed_slice_dims=(0,),
                                   start_index_map=(0,)),
        slice_sizes=(1,),
        mode=lax.GatherScatterMode.PROMISE_IN_BOUNDS)


def _worker_dispatch_math(read_vreg, wid):
    iota = lax.iota(jnp.int32, L)
    zero = jnp.zeros((L,), jnp.int32)

    def hist_step(k, carry):
        tot, pre = carry
        v = read_vreg(k)
        flag = jnp.where(k < 2 * wid, 1, 0)
        new_tot, new_pre = [], []
        for e in range(E):
            m = jnp.where(v == e, 1, 0)
            new_tot.append(tot[e] + m)
            new_pre.append(pre[e] + m * flag)
        return tuple(new_tot), tuple(new_pre)

    tot, pre = lax.fori_loop(0, NV, hist_step,
                             (tuple(zero for _ in range(E)),
                              tuple(zero for _ in range(E))))
    hv = zero
    pv = zero
    for e in range(E):
        lane = jnp.where(iota == e, 1, 0)
        hv = hv + lane * jnp.sum(tot[e])
        pv = pv + lane * jnp.sum(pre[e])

    nblk = (hv + (BLK - 1)) // BLK
    bs_incl = jnp.cumsum(nblk)
    padded_off = (bs_incl - nblk) * BLK
    base = padded_off + pv

    a = read_vreg(2 * wid)
    b = read_vreg(2 * wid + 1)
    cnt_a = zero
    intra_a = zero
    intra_b = zero
    for e in range(E):
        ma = jnp.where(a == e, 1, 0)
        mb = jnp.where(b == e, 1, 0)
        ca = jnp.cumsum(ma)
        cb = jnp.cumsum(mb)
        intra_a = jnp.where(a == e, ca - 1, intra_a)
        cnt_a = cnt_a + jnp.where(iota == e, 1, 0) * jnp.sum(ma)
        intra_b = jnp.where(b == e, cb - 1, intra_b)
    dest_a = _vgather(base, a) + intra_a
    dest_b = _vgather(base + cnt_a, b) + intra_b

    shifted = _vgather(bs_incl, jnp.maximum(iota - 1, 0))
    bsx = shifted * jnp.where(iota == 0, 0, 1)
    bsx = bsx * jnp.where(iota > E, 0, 1) + jnp.where(iota > E, NB, 0)
    return dest_a, dest_b, bsx, hv


def _dispatch_body(idx_hbm, tok_hbm, xpad_hbm, dest_hbm,
                   bs_hbm, idx_all, dest_v, rows_v, bs_v, sem):
    wid = lax.axis_index("s") * NC + lax.axis_index("c")
    pltpu.sync_copy(idx_hbm, idx_all)
    read = lambda k: idx_all[pl.ds(k * L, L)]
    dest_a, dest_b, bsx, hv = _worker_dispatch_math(read, wid)

    dest_v[pl.ds(0, L)] = dest_a
    dest_v[pl.ds(L, L)] = dest_b
    pltpu.sync_copy(dest_v, dest_hbm.at[pl.ds(wid * CH, CH)])

    pltpu.sync_copy(tok_hbm.at[pl.ds(wid * CH, CH)], rows_v)
    pltpu.async_copy(rows_v, xpad_hbm.at[dest_v], sem).wait()

    @pl.when(wid == 0)
    def _():
        bs_v[pl.ds(0, L)] = bsx
        bs_v[pl.ds(L, L)] = hv
        pltpu.sync_copy(bs_v, bs_hbm)


def _dispatch(idx, tok_bf):
    mesh = plsc.VectorSubcoreMesh(core_axis_name="c", subcore_axis_name="s",
                                  num_cores=NC, num_subcores=NS)
    return pl.kernel(
        _dispatch_body,
        out_type=(jax.ShapeDtypeStruct((PAD, C), jnp.float32),
                  jax.ShapeDtypeStruct((T,), jnp.int32),
                  jax.ShapeDtypeStruct((32,), jnp.int32)),
        mesh=mesh,
        scratch_types=[
            pltpu.VMEM((T,), jnp.int32),
            pltpu.VMEM((CH,), jnp.int32),
            pltpu.VMEM((CH, C), jnp.float32),
            pltpu.VMEM((2 * L,), jnp.int32),
            pltpu.SemaphoreType.DMA,
        ],
        compiler_params=pltpu.CompilerParams(needs_layout_passes=False),
    )(idx, tok_bf)


def _experts_body(bs_ref, x_ref, w1_ref, b1_ref, w2_ref, b2_ref, out_ref):
    j = pl.program_id(0)
    used = bs_ref[E]

    @pl.when(j < used)
    def _():
        e = _expert_of_block(j, bs_ref)
        h = jax.nn.gelu(
            jax.lax.dot_general(x_ref[...].astype(jnp.bfloat16),
                                w1_ref[0].astype(jnp.bfloat16),
                                (((1,), (0,)), ((), ())),
                                preferred_element_type=jnp.float32)
            + b1_ref[pl.ds(e, 1), :])
        y = jax.lax.dot_general(
            h.astype(jnp.bfloat16), w2_ref[0].astype(jnp.bfloat16),
            (((1,), (0,)), ((), ())),
            preferred_element_type=jnp.float32) + b2_ref[pl.ds(e, 1), :]
        row = jax.lax.broadcasted_iota(jnp.int32, (BLK, 1), 0)
        row_in_region = row + (j - _bs_at(bs_ref, e)) * BLK
        cnt = _cnt_at(bs_ref, e)
        out_ref[...] = jnp.where(row_in_region < cnt, y, 0.0).astype(
            jnp.bfloat16)

    @pl.when(j >= used)
    def _():
        out_ref[...] = jnp.zeros((BLK, C), jnp.bfloat16)


def _expert_of_block(j, bs_ref):
    e = jnp.int32(0)
    for k in range(1, E):
        e = e + jnp.where(j >= bs_ref[k], 1, 0).astype(jnp.int32)
    return e


def _bs_at(bs_ref, e):
    v = jnp.int32(0)
    for k in range(E):
        v = v + jnp.where(e == k, bs_ref[k], 0).astype(jnp.int32)
    return v


def _cnt_at(bs_ref, e):
    v = jnp.int32(0)
    for k in range(E):
        v = v + jnp.where(e == k, bs_ref[L + k], 0).astype(jnp.int32)
    return v


def _grouped_experts(x_padded, bs, exp_w1, exp_b1, exp_w2, exp_b2):
    grid_spec = pltpu.PrefetchScalarGridSpec(
        num_scalar_prefetch=1,
        grid=(NB,),
        in_specs=[
            pl.BlockSpec((BLK, C), lambda j, bs_ref: (j, 0)),
            pl.BlockSpec((1, C, C),
                         lambda j, bs_ref: (_expert_of_block(j, bs_ref), 0, 0)),
            pl.BlockSpec((E, C), lambda j, bs_ref: (0, 0)),
            pl.BlockSpec((1, C, C),
                         lambda j, bs_ref: (_expert_of_block(j, bs_ref), 0, 0)),
            pl.BlockSpec((E, C), lambda j, bs_ref: (0, 0)),
        ],
        out_specs=pl.BlockSpec((BLK, C), lambda j, bs_ref: (j, 0)),
    )
    return pl.pallas_call(
        _experts_body,
        grid_spec=grid_spec,
        out_shape=jax.ShapeDtypeStruct((PAD, C), jnp.bfloat16),
    )(bs, x_padded, exp_w1, exp_b1, exp_w2, exp_b2)


S4N = 4 * 64 * 128 * 128
S4CH = S4N // NW
S4STEP = 65536


def _s4copy_body(s4_hbm, bs_hbm, s4o_hbm, buf_v, sem):
    wid = lax.axis_index("s") * NC + lax.axis_index("c")
    base = wid * S4CH
    for k in range(S4CH // S4STEP):
        off = base + k * S4STEP
        pltpu.sync_copy(s4_hbm.at[pl.ds(off, S4STEP)], buf_v)
        pltpu.sync_copy(buf_v, s4o_hbm.at[pl.ds(off, S4STEP)])


def _s4copy(s4flat, bs):
    mesh = plsc.VectorSubcoreMesh(core_axis_name="c", subcore_axis_name="s",
                                  num_cores=NC, num_subcores=NS)
    return pl.kernel(
        _s4copy_body,
        out_type=jax.ShapeDtypeStruct((S4N,), jnp.float32),
        mesh=mesh,
        scratch_types=[
            pltpu.VMEM((S4STEP,), jnp.float32),
            pltpu.SemaphoreType.DMA,
        ],
        compiler_params=pltpu.CompilerParams(needs_layout_passes=False),
    )(s4flat, bs)


def _epilogue_body(y_ref, dest_ref, p_ref, tok_ref, out_ref):
    dest_row = dest_ref[...]
    jrow = jax.lax.broadcasted_iota(jnp.int32, (PAD, T), 0)
    perm = (jrow == dest_row).astype(jnp.bfloat16)
    y_tok = jax.lax.dot_general(perm, y_ref[...], (((0,), (0,)), ((), ())),
                                preferred_element_type=jnp.float32)
    out_ref[...] = y_tok * p_ref[...] + tok_ref[...]


def _epilogue(y_padded, dest_row, p, tok):
    return pl.pallas_call(
        _epilogue_body,
        out_shape=jax.ShapeDtypeStruct((T, C), jnp.float32),
    )(y_padded, dest_row, p, tok)


def kernel(s4, s8, s16, s32, gate_w1, gate_b1, gate_w2, gate_b2,
           exp_w1, exp_b1, exp_w2, exp_b2):
    tok = jnp.transpose(s32, (0, 2, 3, 1)).reshape(T, C)

    idx8, p2 = _gate(tok, gate_w1, gate_b1, gate_w2, gate_b2)
    x_padded, dest, bs = _dispatch(idx8.reshape(T), tok)
    y_padded = _grouped_experts(x_padded, bs, exp_w1, exp_b1, exp_w2, exp_b2)
    y_tok = _epilogue(y_padded, dest.reshape(1, T), p2, tok)
    s32_out = jnp.transpose(y_tok.reshape(B, 16, 16, C), (0, 3, 1, 2))
    s4_out = _s4copy(s4.reshape(S4N), bs).reshape(s4.shape)

    return (s4_out, s8, s16, s32_out)

# --- scband reference (transcript-rebuilt; emitter-appended) ---
"""Pipeline reference for scband-mo-selayer-78941498900674 (READ-ONLY COPY).

The authoritative reference and input builder live on the scoring server;
editing this copy changes nothing except your own understanding.
"""

import jax, jax.numpy as jnp
import numpy as np

B = 4
E = 8
C32 = 512


def setup_inputs(seed: int = 0) -> dict:
    key = jax.random.key(seed)
    ks = jax.random.split(key, 10)
    inp = {
        "s4": jax.random.normal(ks[0], (B, 64, 128, 128), dtype=jnp.float32),
        "s8": jax.random.normal(ks[1], (B, 128, 64, 64), dtype=jnp.float32),
        "s16": jax.random.normal(ks[2], (B, 320, 32, 32), dtype=jnp.float32),
        "s32": jax.random.normal(ks[3], (B, C32, 16, 16), dtype=jnp.float32),
        # VisionMOE(channels=512, num_experts=8, moe_2layer_gate=True) params
        "gate_w1": jax.random.normal(ks[4], (C32, C32), dtype=jnp.float32) * 0.02,
        "gate_b1": jnp.zeros((C32,), dtype=jnp.float32),
        "gate_w2": jax.random.normal(ks[5], (C32, E), dtype=jnp.float32) * 0.02,
        "gate_b2": jnp.zeros((E,), dtype=jnp.float32),
        # ProtoExpert(hidden_size=512) replicated per expert: 2-layer MLP
        "exp_w1": jax.random.normal(ks[6], (E, C32, C32), dtype=jnp.float32) * 0.02,
        "exp_b1": jnp.zeros((E, C32), dtype=jnp.float32),
        "exp_w2": jax.random.normal(ks[7], (E, C32, C32), dtype=jnp.float32) * 0.02,
        "exp_b2": jnp.zeros((E, C32), dtype=jnp.float32),
    }
    return inp


def _vision_moe(x, gate_w1, gate_b1, gate_w2, gate_b2, exp_w1, exp_b1, exp_w2, exp_b2):
    Bx, C, H, W = x.shape
    tok = jnp.transpose(x, (0, 2, 3, 1)).reshape(-1, C)  # [T, C]
    T = tok.shape[0]
    # 2-layer gate
    g = jax.nn.gelu(tok @ gate_w1 + gate_b1) @ gate_w2 + gate_b2  # [T, E]
    probs = jax.nn.softmax(g, axis=-1)
    idx = jnp.argmax(probs, axis=-1)  # [T] top-1 expert per token
    p = jnp.take_along_axis(probs, idx[:, None], axis=-1)  # [T, 1]
    # run every expert densely, then gather the routed output per token
    h = jax.nn.gelu(jnp.einsum('tc,ech->eth', tok, exp_w1) + exp_b1[:, None, :])
    y_all = jnp.einsum('eth,ehc->etc', h, exp_w2) + exp_b2[:, None, :]  # [E, T, C]
    y = y_all[idx, jnp.arange(T), :] * p  # gather routed expert output, scale by gate prob
    return jnp.transpose(y.reshape(Bx, H, W, C), (0, 3, 1, 2))


def reference(s4, s8, s16, s32, gate_w1, gate_b1, gate_w2, gate_b2,
              exp_w1, exp_b1, exp_w2, exp_b2):
    s32_out = _vision_moe(s32, gate_w1, gate_b1, gate_w2, gate_b2,
                          exp_w1, exp_b1, exp_w2, exp_b2) + s32
    return (s4, s8, s16, s32_out)

if __name__ == "__main__":
    import jax
    _d = setup_inputs()
    print(jax.jit(kernel)(*tuple(_d.values())))

</pallas_src>

<mosaic_0001>
#map = affine_map<(d0, d1) -> (0)>
#map1 = affine_map<(d0, d1) -> (0, 0)>
module attributes {stable_mosaic.version = 14 : i64} {
  func.func @_dispatch_body(%arg0: i32, %arg1: i32, %arg2: memref<1024xi32, #tpu.memory_space<hbm>>, %arg3: memref<1024x512xf32, #tpu.memory_space<hbm>>, %arg4: memref<2048x512xf32, #tpu.memory_space<hbm>>, %arg5: memref<1024xi32, #tpu.memory_space<hbm>>, %arg6: memref<32xi32, #tpu.memory_space<hbm>>, %arg7: memref<1024xi32, #tpu.memory_space<vmem>>, %arg8: memref<32xi32, #tpu.memory_space<vmem>>, %arg9: memref<32x512xf32, #tpu.memory_space<vmem>>, %arg10: memref<32xi32, #tpu.memory_space<vmem>>, %arg11: memref<!tpu.dma_semaphore, #tpu.memory_space<semaphore_mem>>) attributes {dimension_semantics = [#tpu.dimension_semantics<core_parallel>, #tpu.dimension_semantics<subcore_parallel>], iteration_bounds = array<i64: 2, 16>, scalar_prefetch = 0 : i64, scratch_operands = 5 : i64, tpu.core_type = #tpu.core_type<sc_vector_subcore>, window_params = [{transform_indices = #map}, {transform_indices = #map1}, {transform_indices = #map1}, {transform_indices = #map}, {transform_indices = #map}]} {
    %mul3A = arith.constant 2 : i32
    %mul3A_0 = arith.muli %arg1, %mul3A : i32
    %add3A = arith.addi %mul3A_0, %arg0 : i32
    "tpu.region"() ({
      %run_scoped3A = tpu.sem_alloc : memref<!tpu.dma_semaphore, #tpu.memory_space<semaphore_mem>>
      tpu.enqueue_dma source(%arg2 : memref<1024xi32, #tpu.memory_space<hbm>>) target(%arg7 : memref<1024xi32, #tpu.memory_space<vmem>>) target_semaphore(%run_scoped3A : memref<!tpu.dma_semaphore, #tpu.memory_space<semaphore_mem>>)
      tpu.wait_dma2 semaphore(%run_scoped3A : memref<!tpu.dma_semaphore, #tpu.memory_space<semaphore_mem>>) src(%arg2 : memref<1024xi32, #tpu.memory_space<hbm>>) dst(%arg7 : memref<1024xi32, #tpu.memory_space<vmem>>)
      tpu.yield
    }) : () -> ()
    %iota3A = tpu.iota {dimensions = array<i32: 0>} : vector<16xi32>
    %broadcast_in_dim3A = arith.constant 0 : i32
    %broadcast_in_dim3A_1 = vector.broadcast %broadcast_in_dim3A : i32 to vector<16xi32>
    %scan3A = arith.constant 0 : i32
    %scan3A_2 = arith.constant 64 : i32
    %scan3A_3 = arith.addi %scan3A, %scan3A_2 : i32
    %scan3A_4 = arith.constant 1 : i32
    %scan3A_5:16 = scf.for %scan3A_691 = %scan3A to %scan3A_3 step %scan3A_4 iter_args(%scan3A_692 = %broadcast_in_dim3A_1, %scan3A_693 = %broadcast_in_dim3A_1, %scan3A_694 = %broadcast_in_dim3A_1, %scan3A_695 = %broadcast_in_dim3A_1, %scan3A_696 = %broadcast_in_dim3A_1, %scan3A_697 = %broadcast_in_dim3A_1, %scan3A_698 = %broadcast_in_dim3A_1, %scan3A_699 = %broadcast_in_dim3A_1, %scan3A_700 = %broadcast_in_dim3A_1, %scan3A_701 = %broadcast_in_dim3A_1, %scan3A_702 = %broadcast_in_dim3A_1, %scan3A_703 = %broadcast_in_dim3A_1, %scan3A_704 = %broadcast_in_dim3A_1, %scan3A_705 = %broadcast_in_dim3A_1, %scan3A_706 = %broadcast_in_dim3A_1, %scan3A_707 = %broadcast_in_dim3A_1) -> (vector<16xi32>, vector<16xi32>, vector<16xi32>, vector<16xi32>, vector<16xi32>, vector<16xi32>, vector<16xi32>, vector<16xi32>, vector<16xi32>, vector<16xi32>, vector<16xi32>, vector<16xi32>, vector<16xi32>, vector<16xi32>, vector<16xi32>, vector<16xi32>)  : i32 {
      %mul3A_708 = arith.constant 16 : i32
      %mul3A_709 = arith.muli %scan3A_691, %mul3A_708 : i32
      %get3A_710 = arith.index_cast %mul3A_709 : i32 to index
      %get3A_711 = tpu.vector_load %arg7[%get3A_710] {strides = array<i32>} : memref<1024xi32, #tpu.memory_space<vmem>>, vector<16xi32>,
      %mul3A_712 = arith.constant 2 : i32
      %mul3A_713 = arith.muli %mul3A_712, %add3A : i32
      %lt3A = arith.cmpi slt, %scan3A_691, %mul3A_713 : i32
      %jit3A_714 = arith.constant 1 : i32
      %jit3A_715 = arith.constant 0 : i32
      %select_n3A_716 = arith.select %lt3A, %jit3A_714, %jit3A_715 : i32
      %eq3A_717 = arith.constant 0 : i32
      %eq3A_718 = vector.broadcast %eq3A_717 : i32 to vector<16xi32>
      %eq3A_719 = arith.cmpi eq, %get3A_711, %eq3A_718 : vector<16xi32>
      %jit3A_720 = arith.constant 1 : i32
      %jit3A_721 = arith.constant 0 : i32
      %broadcast_in_dim3A_722 = vector.broadcast %jit3A_720 : i32 to vector<16xi32>
      %broadcast_in_dim3A_723 = vector.broadcast %jit3A_721 : i32 to vector<16xi32>
      %select_n3A_724 = arith.select %eq3A_719, %broadcast_in_dim3A_722, %broadcast_in_dim3A_723 : vector<16xi1>, vector<16xi32>
      %add3A_725 = arith.addi %scan3A_692, %select_n3A_724 : vector<16xi32>
      %mul3A_726 = vector.broadcast %select_n3A_716 : i32 to vector<16xi32>
      %mul3A_727 = arith.muli %select_n3A_724, %mul3A_726 : vector<16xi32>
      %add3A_728 = arith.addi %scan3A_700, %mul3A_727 : vector<16xi32>
      %eq3A_729 = arith.constant 1 : i32
      %eq3A_730 = vector.broadcast %eq3A_729 : i32 to vector<16xi32>
      %eq3A_731 = arith.cmpi eq, %get3A_711, %eq3A_730 : vector<16xi32>
      %jit3A_732 = arith.constant 1 : i32
      %jit3A_733 = arith.constant 0 : i32
      %broadcast_in_dim3A_734 = vector.broadcast %jit3A_732 : i32 to vector<16xi32>
      %broadcast_in_dim3A_735 = vector.broadcast %jit3A_733 : i32 to vector<16xi32>
      %select_n3A_736 = arith.select %eq3A_731, %broadcast_in_dim3A_734, %broadcast_in_dim3A_735 : vector<16xi1>, vector<16xi32>
      %add3A_737 = arith.addi %scan3A_693, %select_n3A_736 : vector<16xi32>
      %mul3A_738 = vector.broadcast %select_n3A_716 : i32 to vector<16xi32>
      %mul3A_739 = arith.muli %select_n3A_736, %mul3A_738 : vector<16xi32>
      %add3A_740 = arith.addi %scan3A_701, %mul3A_739 : vector<16xi32>
      %eq3A_741 = arith.constant 2 : i32
      %eq3A_742 = vector.broadcast %eq3A_741 : i32 to vector<16xi32>
      %eq3A_743 = arith.cmpi eq, %get3A_711, %eq3A_742 : vector<16xi32>
      %jit3A_744 = arith.constant 1 : i32
      %jit3A_745 = arith.constant 0 : i32
      %broadcast_in_dim3A_746 = vector.broadcast %jit3A_744 : i32 to vector<16xi32>
      %broadcast_in_dim3A_747 = vector.broadcast %jit3A_745 : i32 to vector<16xi32>
      %select_n3A_748 = arith.select %eq3A_743, %broadcast_in_dim3A_746, %broadcast_in_dim3A_747 : vector<16xi1>, vector<16xi32>
      %add3A_749 = arith.addi %scan3A_694, %select_n3A_748 : vector<16xi32>
      %mul3A_750 = vector.broadcast %select_n3A_716 : i32 to vector<16xi32>
      %mul3A_751 = arith.muli %select_n3A_748, %mul3A_750 : vector<16xi32>
      %add3A_752 = arith.addi %scan3A_702, %mul3A_751 : vector<16xi32>
      %eq3A_753 = arith.constant 3 : i32
      %eq3A_754 = vector.broadcast %eq3A_753 : i32 to vector<16xi32>
      %eq3A_755 = arith.cmpi eq, %get3A_711, %eq3A_754 : vector<16xi32>
      %jit3A_756 = arith.constant 1 : i32
      %jit3A_757 = arith.constant 0 : i32
      %broadcast_in_dim3A_758 = vector.broadcast %jit3A_756 : i32 to vector<16xi32>
      %broadcast_in_dim3A_759 = vector.broadcast %jit3A_757 : i32 to vector<16xi32>
      %select_n3A_760 = arith.select %eq3A_755, %broadcast_in_dim3A_758, %broadcast_in_dim3A_759 : vector<16xi1>, vector<16xi32>
      %add3A_761 = arith.addi %scan3A_695, %select_n3A_760 : vector<16xi32>
      %mul3A_762 = vector.broadcast %select_n3A_716 : i32 to vector<16xi32>
      %mul3A_763 = arith.muli %select_n3A_760, %mul3A_762 : vector<16xi32>
      %add3A_764 = arith.addi %scan3A_703, %mul3A_763 : vector<16xi32>
      %eq3A_765 = arith.constant 4 : i32
      %eq3A_766 = vector.broadcast %eq3A_765 : i32 to vector<16xi32>
      %eq3A_767 = arith.cmpi eq, %get3A_711, %eq3A_766 : vector<16xi32>
      %jit3A_768 = arith.constant 1 : i32
      %jit3A_769 = arith.constant 0 : i32
      %broadcast_in_dim3A_770 = vector.broadcast %jit3A_768 : i32 to vector<16xi32>
      %broadcast_in_dim3A_771 = vector.broadcast %jit3A_769 : i32 to vector<16xi32>
      %select_n3A_772 = arith.select %eq3A_767, %broadcast_in_dim3A_770, %broadcast_in_dim3A_771 : vector<16xi1>, vector<16xi32>
      %add3A_773 = arith.addi %scan3A_696, %select_n3A_772 : vector<16xi32>
      %mul3A_774 = vector.broadcast %select_n3A_716 : i32 to vector<16xi32>
      %mul3A_775 = arith.muli %select_n3A_772, %mul3A_774 : vector<16xi32>
      %add3A_776 = arith.addi %scan3A_704, %mul3A_775 : vector<16xi32>
      %eq3A_777 = arith.constant 5 : i32
      %eq3A_778 = vector.broadcast %eq3A_777 : i32 to vector<16xi32>
      %eq3A_779 = arith.cmpi eq, %get3A_711, %eq3A_778 : vector<16xi32>
      %jit3A_780 = arith.constant 1 : i32
      %jit3A_781 = arith.constant 0 : i32
      %broadcast_in_dim3A_782 = vector.broadcast %jit3A_780 : i32 to vector<16xi32>
      %broadcast_in_dim3A_783 = vector.broadcast %jit3A_781 : i32 to vector<16xi32>
      %select_n3A_784 = arith.select %eq3A_779, %broadcast_in_dim3A_782, %broadcast_in_dim3A_783 : vector<16xi1>, vector<16xi32>
      %add3A_785 = arith.addi %scan3A_697, %select_n3A_784 : vector<16xi32>
      %mul3A_786 = vector.broadcast %select_n3A_716 : i32 to vector<16xi32>
      %mul3A_787 = arith.muli %select_n3A_784, %mul3A_786 : vector<16xi32>
      %add3A_788 = arith.addi %scan3A_705, %mul3A_787 : vector<16xi32>
      %eq3A_789 = arith.constant 6 : i32
      %eq3A_790 = vector.broadcast %eq3A_789 : i32 to vector<16xi32>
      %eq3A_791 = arith.cmpi eq, %get3A_711, %eq3A_790 : vector<16xi32>
      %jit3A_792 = arith.constant 1 : i32
      %jit3A_793 = arith.constant 0 : i32
      %broadcast_in_dim3A_794 = vector.broadcast %jit3A_792 : i32 to vector<16xi32>
      %broadcast_in_dim3A_795 = vector.broadcast %jit3A_793 : i32 to vector<16xi32>
      %select_n3A_796 = arith.select %eq3A_791, %broadcast_in_dim3A_794, %broadcast_in_dim3A_795 : vector<16xi1>, vector<16xi32>
      %add3A_797 = arith.addi %scan3A_698, %select_n3A_796 : vector<16xi32>
      %mul3A_798 = vector.broadcast %select_n3A_716 : i32 to vector<16xi32>
      %mul3A_799 = arith.muli %select_n3A_796, %mul3A_798 : vector<16xi32>
      %add3A_800 = arith.addi %scan3A_706, %mul3A_799 : vector<16xi32>
      %eq3A_801 = arith.constant 7 : i32
      %eq3A_802 = vector.broadcast %eq3A_801 : i32 to vector<16xi32>
      %eq3A_803 = arith.cmpi eq, %get3A_711, %eq3A_802 : vector<16xi32>
      %jit3A_804 = arith.constant 1 : i32
      %jit3A_805 = arith.constant 0 : i32
      %broadcast_in_dim3A_806 = vector.broadcast %jit3A_804 : i32 to vector<16xi32>
      %broadcast_in_dim3A_807 = vector.broadcast %jit3A_805 : i32 to vector<16xi32>
      %select_n3A_808 = arith.select %eq3A_803, %broadcast_in_dim3A_806, %broadcast_in_dim3A_807 : vector<16xi1>, vector<16xi32>
      %add3A_809 = arith.addi %scan3A_699, %select_n3A_808 : vector<16xi32>
      %mul3A_810 = vector.broadcast %select_n3A_716 : i32 to vector<16xi32>
      %mul3A_811 = arith.muli %select_n3A_808, %mul3A_810 : vector<16xi32>
      %add3A_812 = arith.addi %scan3A_707, %mul3A_811 : vector<16xi32>
      scf.yield %add3A_725, %add3A_737, %add3A_749, %add3A_761, %add3A_773, %add3A_785, %add3A_797, %add3A_809, %add3A_728, %add3A_740, %add3A_752, %add3A_764, %add3A_776, %add3A_788, %add3A_800, %add3A_812 : vector<16xi32>, vector<16xi32>, vector<16xi32>, vector<16xi32>, vector<16xi32>, vector<16xi32>, vector<16xi32>, vector<16xi32>, vector<16xi32>, vector<16xi32>, vector<16xi32>, vector<16xi32>, vector<16xi32>, vector<16xi32>, vector<16xi32>, vector<16xi32>
    }
    %scan3A_6 = arith.constant 64 : i32
    %eq3A = arith.constant 0 : i32
    %eq3A_7 = vector.broadcast %eq3A : i32 to vector<16xi32>
    %eq3A_8 = arith.cmpi eq, %iota3A, %eq3A_7 : vector<16xi32>
    %jit3A = arith.constant 1 : i32
    %jit3A_9 = arith.constant 0 : i32
    %broadcast_in_dim3A_10 = vector.broadcast %jit3A : i32 to vector<16xi32>
    %broadcast_in_dim3A_11 = vector.broadcast %jit3A_9 : i32 to vector<16xi32>
    %select_n3A = arith.select %eq3A_8, %broadcast_in_dim3A_10, %broadcast_in_dim3A_11 : vector<16xi1>, vector<16xi32>
    %reduce_sum3A = arith.constant true
    %reduce_sum3A_12 = vector.broadcast %reduce_sum3A : i1 to vector<16xi1>
    %reduce_sum3A_13 = tpu.scan <sum>, %scan3A_5#0 masked %reduce_sum3A_12 : vector<16xi32>, vector<16xi1> -> vector<16xi32>
    %reduce_sum3A_14 = vector.extract %reduce_sum3A_13[15] : i32 from vector<16xi32>
    %mul3A_15 = vector.broadcast %reduce_sum3A_14 : i32 to vector<16xi32>
    %mul3A_16 = arith.muli %select_n3A, %mul3A_15 : vector<16xi32>
    %add3A_17 = arith.addi %broadcast_in_dim3A_1, %mul3A_16 : vector<16xi32>
    %reduce_sum3A_18 = arith.constant true
    %reduce_sum3A_19 = vector.broadcast %reduce_sum3A_18 : i1 to vector<16xi1>
    %reduce_sum3A_20 = tpu.scan <sum>, %scan3A_5#8 masked %reduce_sum3A_19 : vector<16xi32>, vector<16xi1> -> vector<16xi32>
    %reduce_sum3A_21 = vector.extract %reduce_sum3A_20[15] : i32 from vector<16xi32>
    %mul3A_22 = vector.broadcast %reduce_sum3A_21 : i32 to vector<16xi32>
    %mul3A_23 = arith.muli %select_n3A, %mul3A_22 : vector<16xi32>
    %add3A_24 = arith.addi %broadcast_in_dim3A_1, %mul3A_23 : vector<16xi32>
    %eq3A_25 = arith.constant 1 : i32
    %eq3A_26 = vector.broadcast %eq3A_25 : i32 to vector<16xi32>
    %eq3A_27 = arith.cmpi eq, %iota3A, %eq3A_26 : vector<16xi32>
    %jit3A_28 = arith.constant 1 : i32
    %jit3A_29 = arith.constant 0 : i32
    %broadcast_in_dim3A_30 = vector.broadcast %jit3A_28 : i32 to vector<16xi32>
    %broadcast_in_dim3A_31 = vector.broadcast %jit3A_29 : i32 to vector<16xi32>
    %select_n3A_32 = arith.select %eq3A_27, %broadcast_in_dim3A_30, %broadcast_in_dim3A_31 : vector<16xi1>, vector<16xi32>
    %reduce_sum3A_33 = arith.constant true
    %reduce_sum3A_34 = vector.broadcast %reduce_sum3A_33 : i1 to vector<16xi1>
    %reduce_sum3A_35 = tpu.scan <sum>, %scan3A_5#1 masked %reduce_sum3A_34 : vector<16xi32>, vector<16xi1> -> vector<16xi32>
    %reduce_sum3A_36 = vector.extract %reduce_sum3A_35[15] : i32 from vector<16xi32>
    %mul3A_37 = vector.broadcast %reduce_sum3A_36 : i32 to vector<16xi32>
    %mul3A_38 = arith.muli %select_n3A_32, %mul3A_37 : vector<16xi32>
    %add3A_39 = arith.addi %add3A_17, %mul3A_38 : vector<16xi32>
    %reduce_sum3A_40 = arith.constant true
    %reduce_sum3A_41 = vector.broadcast %reduce_sum3A_40 : i1 to vector<16xi1>
    %reduce_sum3A_42 = tpu.scan <sum>, %scan3A_5#9 masked %reduce_sum3A_41 : vector<16xi32>, vector<16xi1> -> vector<16xi32>
    %reduce_sum3A_43 = vector.extract %reduce_sum3A_42[15] : i32 from vector<16xi32>
    %mul3A_44 = vector.broadcast %reduce_sum3A_43 : i32 to vector<16xi32>
    %mul3A_45 = arith.muli %select_n3A_32, %mul3A_44 : vector<16xi32>
    %add3A_46 = arith.addi %add3A_24, %mul3A_45 : vector<16xi32>
    %eq3A_47 = arith.constant 2 : i32
    %eq3A_48 = vector.broadcast %eq3A_47 : i32 to vector<16xi32>
    %eq3A_49 = arith.cmpi eq, %iota3A, %eq3A_48 : vector<16xi32>
    %jit3A_50 = arith.constant 1 : i32
    %jit3A_51 = arith.constant 0 : i32
    %broadcast_in_dim3A_52 = vector.broadcast %jit3A_50 : i32 to vector<16xi32>
    %broadcast_in_dim3A_53 = vector.broadcast %jit3A_51 : i32 to vector<16xi32>
    %select_n3A_54 = arith.select %eq3A_49, %broadcast_in_dim3A_52, %broadcast_in_dim3A_53 : vector<16xi1>, vector<16xi32>
    %reduce_sum3A_55 = arith.constant true
    %reduce_sum3A_56 = vector.broadcast %reduce_sum3A_55 : i1 to vector<16xi1>
    %reduce_sum3A_57 = tpu.scan <sum>, %scan3A_5#2 masked %reduce_sum3A_56 : vector<16xi32>, vector<16xi1> -> vector<16xi32>
    %reduce_sum3A_58 = vector.extract %reduce_sum3A_57[15] : i32 from vector<16xi32>
    %mul3A_59 = vector.broadcast %reduce_sum3A_58 : i32 to vector<16xi32>
    %mul3A_60 = arith.muli %select_n3A_54, %mul3A_59 : vector<16xi32>
    %add3A_61 = arith.addi %add3A_39, %mul3A_60 : vector<16xi32>
    %reduce_sum3A_62 = arith.constant true
    %reduce_sum3A_63 = vector.broadcast %reduce_sum3A_62 : i1 to vector<16xi1>
    %reduce_sum3A_64 = tpu.scan <sum>, %scan3A_5#10 masked %reduce_sum3A_63 : vector<16xi32>, vector<16xi1> -> vector<16xi32>
    %reduce_sum3A_65 = vector.extract %reduce_sum3A_64[15] : i32 from vector<16xi32>
    %mul3A_66 = vector.broadcast %reduce_sum3A_65 : i32 to vector<16xi32>
    %mul3A_67 = arith.muli %select_n3A_54, %mul3A_66 : vector<16xi32>
    %add3A_68 = arith.addi %add3A_46, %mul3A_67 : vector<16xi32>
    %eq3A_69 = arith.constant 3 : i32
    %eq3A_70 = vector.broadcast %eq3A_69 : i32 to vector<16xi32>
    %eq3A_71 = arith.cmpi eq, %iota3A, %eq3A_70 : vector<16xi32>
    %jit3A_72 = arith.constant 1 : i32
    %jit3A_73 = arith.constant 0 : i32
    %broadcast_in_dim3A_74 = vector.broadcast %jit3A_72 : i32 to vector<16xi32>
    %broadcast_in_dim3A_75 = vector.broadcast %jit3A_73 : i32 to vector<16xi32>
    %select_n3A_76 = arith.select %eq3A_71, %broadcast_in_dim3A_74, %broadcast_in_dim3A_75 : vector<16xi1>, vector<16xi32>
    %reduce_sum3A_77 = arith.constant true
    %reduce_sum3A_78 = vector.broadcast %reduce_sum3A_77 : i1 to vector<16xi1>
    %reduce_sum3A_79 = tpu.scan <sum>, %scan3A_5#3 masked %reduce_sum3A_78 : vector<16xi32>, vector<16xi1> -> vector<16xi32>
    %reduce_sum3A_80 = vector.extract %reduce_sum3A_79[15] : i32 from vector<16xi32>
    %mul3A_81 = vector.broadcast %reduce_sum3A_80 : i32 to vector<16xi32>
    %mul3A_82 = arith.muli %select_n3A_76, %mul3A_81 : vector<16xi32>
    %add3A_83 = arith.addi %add3A_61, %mul3A_82 : vector<16xi32>
    %reduce_sum3A_84 = arith.constant true
    %reduce_sum3A_85 = vector.broadcast %reduce_sum3A_84 : i1 to vector<16xi1>
    %reduce_sum3A_86 = tpu.scan <sum>, %scan3A_5#11 masked %reduce_sum3A_85 : vector<16xi32>, vector<16xi1> -> vector<16xi32>
    %reduce_sum3A_87 = vector.extract %reduce_sum3A_86[15] : i32 from vector<16xi32>
    %mul3A_88 = vector.broadcast %reduce_sum3A_87 : i32 to vector<16xi32>
    %mul3A_89 = arith.muli %select_n3A_76, %mul3A_88 : vector<16xi32>
    %add3A_90 = arith.addi %add3A_68, %mul3A_89 : vector<16xi32>
    %eq3A_91 = arith.constant 4 : i32
    %eq3A_92 = vector.broadcast %eq3A_91 : i32 to vector<16xi32>
    %eq3A_93 = arith.cmpi eq, %iota3A, %eq3A_92 : vector<16xi32>
    %jit3A_94 = arith.constant 1 : i32
    %jit3A_95 = arith.constant 0 : i32
    %broadcast_in_dim3A_96 = vector.broadcast %jit3A_94 : i32 to vector<16xi32>
    %broadcast_in_dim3A_97 = vector.broadcast %jit3A_95 : i32 to vector<16xi32>
    %select_n3A_98 = arith.select %eq3A_93, %broadcast_in_dim3A_96, %broadcast_in_dim3A_97 : vector<16xi1>, vector<16xi32>
    %reduce_sum3A_99 = arith.constant true
    %reduce_sum3A_100 = vector.broadcast %reduce_sum3A_99 : i1 to vector<16xi1>
    %reduce_sum3A_101 = tpu.scan <sum>, %scan3A_5#4 masked %reduce_sum3A_100 : vector<16xi32>, vector<16xi1> -> vector<16xi32>
    %reduce_sum3A_102 = vector.extract %reduce_sum3A_101[15] : i32 from vector<16xi32>
    %mul3A_103 = vector.broadcast %reduce_sum3A_102 : i32 to vector<16xi32>
    %mul3A_104 = arith.muli %select_n3A_98, %mul3A_103 : vector<16xi32>
    %add3A_105 = arith.addi %add3A_83, %mul3A_104 : vector<16xi32>
    %reduce_sum3A_106 = arith.constant true
    %reduce_sum3A_107 = vector.broadcast %reduce_sum3A_106 : i1 to vector<16xi1>
    %reduce_sum3A_108 = tpu.scan <sum>, %scan3A_5#12 masked %reduce_sum3A_107 : vector<16xi32>, vector<16xi1> -> vector<16xi32>
    %reduce_sum3A_109 = vector.extract %reduce_sum3A_108[15] : i32 from vector<16xi32>
    %mul3A_110 = vector.broadcast %reduce_sum3A_109 : i32 to vector<16xi32>
    %mul3A_111 = arith.muli %select_n3A_98, %mul3A_110 : vector<16xi32>
    %add3A_112 = arith.addi %add3A_90, %mul3A_111 : vector<16xi32>
    %eq3A_113 = arith.constant 5 : i32
    %eq3A_114 = vector.broadcast %eq3A_113 : i32 to vector<16xi32>
    %eq3A_115 = arith.cmpi eq, %iota3A, %eq3A_114 : vector<16xi32>
    %jit3A_116 = arith.constant 1 : i32
    %jit3A_117 = arith.constant 0 : i32
    %broadcast_in_dim3A_118 = vector.broadcast %jit3A_116 : i32 to vector<16xi32>
    %broadcast_in_dim3A_119 = vector.broadcast %jit3A_117 : i32 to vector<16xi32>
    %select_n3A_120 = arith.select %eq3A_115, %broadcast_in_dim3A_118, %broadcast_in_dim3A_119 : vector<16xi1>, vector<16xi32>
    %reduce_sum3A_121 = arith.constant true
    %reduce_sum3A_122 = vector.broadcast %reduce_sum3A_121 : i1 to vector<16xi1>
    %reduce_sum3A_123 = tpu.scan <sum>, %scan3A_5#5 masked %reduce_sum3A_122 : vector<16xi32>, vector<16xi1> -> vector<16xi32>
    %reduce_sum3A_124 = vector.extract %reduce_sum3A_123[15] : i32 from vector<16xi32>
    %mul3A_125 = vector.broadcast %reduce_sum3A_124 : i32 to vector<16xi32>
    %mul3A_126 = arith.muli %select_n3A_120, %mul3A_125 : vector<16xi32>
    %add3A_127 = arith.addi %add3A_105, %mul3A_126 : vector<16xi32>
    %reduce_sum3A_128 = arith.constant true
    %reduce_sum3A_129 = vector.broadcast %reduce_sum3A_128 : i1 to vector<16xi1>
    %reduce_sum3A_130 = tpu.scan <sum>, %scan3A_5#13 masked %reduce_sum3A_129 : vector<16xi32>, vector<16xi1> -> vector<16xi32>
    %reduce_sum3A_131 = vector.extract %reduce_sum3A_130[15] : i32 from vector<16xi32>
    %mul3A_132 = vector.broadcast %reduce_sum3A_131 : i32 to vector<16xi32>
    %mul3A_133 = arith.muli %select_n3A_120, %mul3A_132 : vector<16xi32>
    %add3A_134 = arith.addi %add3A_112, %mul3A_133 : vector<16xi32>
    %eq3A_135 = arith.constant 6 : i32
    %eq3A_136 = vector.broadcast %eq3A_135 : i32 to vector<16xi32>
    %eq3A_137 = arith.cmpi eq, %iota3A, %eq3A_136 : vector<16xi32>
    %jit3A_138 = arith.constant 1 : i32
    %jit3A_139 = arith.constant 0 : i32
    %broadcast_in_dim3A_140 = vector.broadcast %jit3A_138 : i32 to vector<16xi32>
    %broadcast_in_dim3A_141 = vector.broadcast %jit3A_139 : i32 to vector<16xi32>
    %select_n3A_142 = arith.select %eq3A_137, %broadcast_in_dim3A_140, %broadcast_in_dim3A_141 : vector<16xi1>, vector<16xi32>
    %reduce_sum3A_143 = arith.constant true
    %reduce_sum3A_144 = vector.broadcast %reduce_sum3A_143 : i1 to vector<16xi1>
    %reduce_sum3A_145 = tpu.scan <sum>, %scan3A_5#6 masked %reduce_sum3A_144 : vector<16xi32>, vector<16xi1> -> vector<16xi32>
    %reduce_sum3A_146 = vector.extract %reduce_sum3A_145[15] : i32 from vector<16xi32>
    %mul3A_147 = vector.broadcast %reduce_sum3A_146 : i32 to vector<16xi32>
    %mul3A_148 = arith.muli %select_n3A_142, %mul3A_147 : vector<16xi32>
    %add3A_149 = arith.addi %add3A_127, %mul3A_148 : vector<16xi32>
    %reduce_sum3A_150 = arith.constant true
    %reduce_sum3A_151 = vector.broadcast %reduce_sum3A_150 : i1 to vector<16xi1>
    %reduce_sum3A_152 = tpu.scan <sum>, %scan3A_5#14 masked %reduce_sum3A_151 : vector<16xi32>, vector<16xi1> -> vector<16xi32>
    %reduce_sum3A_153 = vector.extract %reduce_sum3A_152[15] : i32 from vector<16xi32>
    %mul3A_154 = vector.broadcast %reduce_sum3A_153 : i32 to vector<16xi32>
    %mul3A_155 = arith.muli %select_n3A_142, %mul3A_154 : vector<16xi32>
    %add3A_156 = arith.addi %add3A_134, %mul3A_155 : vector<16xi32>
    %eq3A_157 = arith.constant 7 : i32
    %eq3A_158 = vector.broadcast %eq3A_157 : i32 to vector<16xi32>
    %eq3A_159 = arith.cmpi eq, %iota3A, %eq3A_158 : vector<16xi32>
    %jit3A_160 = arith.constant 1 : i32
    %jit3A_161 = arith.constant 0 : i32
    %broadcast_in_dim3A_162 = vector.broadcast %jit3A_160 : i32 to vector<16xi32>
    %broadcast_in_dim3A_163 = vector.broadcast %jit3A_161 : i32 to vector<16xi32>
    %select_n3A_164 = arith.select %eq3A_159, %broadcast_in_dim3A_162, %broadcast_in_dim3A_163 : vector<16xi1>, vector<16xi32>
    %reduce_sum3A_165 = arith.constant true
    %reduce_sum3A_166 = vector.broadcast %reduce_sum3A_165 : i1 to vector<16xi1>
    %reduce_sum3A_167 = tpu.scan <sum>, %scan3A_5#7 masked %reduce_sum3A_166 : vector<16xi32>, vector<16xi1> -> vector<16xi32>
    %reduce_sum3A_168 = vector.extract %reduce_sum3A_167[15] : i32 from vector<16xi32>
    %mul3A_169 = vector.broadcast %reduce_sum3A_168 : i32 to vector<16xi32>
    %mul3A_170 = arith.muli %select_n3A_164, %mul3A_169 : vector<16xi32>
    %add3A_171 = arith.addi %add3A_149, %mul3A_170 : vector<16xi32>
    %reduce_sum3A_172 = arith.constant true
    %reduce_sum3A_173 = vector.broadcast %reduce_sum3A_172 : i1 to vector<16xi1>
    %reduce_sum3A_174 = tpu.scan <sum>, %scan3A_5#15 masked %reduce_sum3A_173 : vector<16xi32>, vector<16xi1> -> vector<16xi32>
    %reduce_sum3A_175 = vector.extract %reduce_sum3A_174[15] : i32 from vector<16xi32>
    %mul3A_176 = vector.broadcast %reduce_sum3A_175 : i32 to vector<16xi32>
    %mul3A_177 = arith.muli %select_n3A_164, %mul3A_176 : vector<16xi32>
    %add3A_178 = arith.addi %add3A_156, %mul3A_177 : vector<16xi32>
    %add3A_179 = arith.constant 127 : i32
    %add3A_180 = vector.broadcast %add3A_179 : i32 to vector<16xi32>
    %add3A_181 = arith.addi %add3A_171, %add3A_180 : vector<16xi32>
    %jit3A_182 = arith.constant 128 : i32
    %div3A = vector.broadcast %jit3A_182 : i32 to vector<16xi32>
    %div3A_183 = arith.divsi %add3A_181, %div3A : vector<16xi32>
    %sign3A = arith.constant 0 : i32
    %sign3A_184 = vector.broadcast %sign3A : i32 to vector<16xi32>
    %sign3A_185 = arith.cmpi sgt, %add3A_181, %sign3A_184 : vector<16xi32>
    %sign3A_186 = arith.extui %sign3A_185 : vector<16xi1> to vector<16xi32>
    %sign3A_187 = arith.constant 0 : i32
    %sign3A_188 = vector.broadcast %sign3A_187 : i32 to vector<16xi32>
    %sign3A_189 = arith.cmpi slt, %add3A_181, %sign3A_188 : vector<16xi32>
    %sign3A_190 = arith.extui %sign3A_189 : vector<16xi1> to vector<16xi32>
    %sign3A_191 = arith.subi %sign3A_186, %sign3A_190 : vector<16xi32>
    %sign3A_192 = arith.constant 0 : i32
    %sign3A_193 = arith.cmpi sgt, %jit3A_182, %sign3A_192 : i32
    %sign3A_194 = arith.extui %sign3A_193 : i1 to i32
    %sign3A_195 = arith.constant 0 : i32
    %sign3A_196 = arith.cmpi slt, %jit3A_182, %sign3A_195 : i32
    %sign3A_197 = arith.extui %sign3A_196 : i1 to i32
    %sign3A_198 = arith.subi %sign3A_194, %sign3A_197 : i32
    %ne3A = vector.broadcast %sign3A_198 : i32 to vector<16xi32>
    %ne3A_199 = arith.cmpi ne, %sign3A_191, %ne3A : vector<16xi32>
    %rem3A = vector.broadcast %jit3A_182 : i32 to vector<16xi32>
    %rem3A_200 = arith.remsi %add3A_181, %rem3A : vector<16xi32>
    %ne3A_201 = arith.constant 0 : i32
    %ne3A_202 = vector.broadcast %ne3A_201 : i32 to vector<16xi32>
    %ne3A_203 = arith.cmpi ne, %rem3A_200, %ne3A_202 : vector<16xi32>
    %and3A = arith.andi %ne3A_199, %ne3A_203 : vector<16xi1>
    %sub3A = arith.constant 1 : i32
    %sub3A_204 = vector.broadcast %sub3A : i32 to vector<16xi32>
    %sub3A_205 = arith.subi %div3A_183, %sub3A_204 : vector<16xi32>
    %select_n3A_206 = arith.select %and3A, %sub3A_205, %div3A_183 : vector<16xi1>, vector<16xi32>
    %cumsum3A = arith.constant true
    %cumsum3A_207 = vector.broadcast %cumsum3A : i1 to vector<16xi1>
    %cumsum3A_208 = tpu.scan <sum>, %select_n3A_206 masked %cumsum3A_207 : vector<16xi32>, vector<16xi1> -> vector<16xi32>
    %sub3A_209 = arith.subi %cumsum3A_208, %select_n3A_206 : vector<16xi32>
    %mul3A_210 = arith.constant 128 : i32
    %mul3A_211 = vector.broadcast %mul3A_210 : i32 to vector<16xi32>
    %mul3A_212 = arith.muli %sub3A_209, %mul3A_211 : vector<16xi32>
    %add3A_213 = arith.addi %mul3A_212, %add3A_178 : vector<16xi32>
    %mul3A_214 = arith.constant 2 : i32
    %mul3A_215 = arith.muli %mul3A_214, %add3A : i32
    %mul3A_216 = arith.constant 16 : i32
    %mul3A_217 = arith.muli %mul3A_215, %mul3A_216 : i32
    %get3A = arith.index_cast %mul3A_217 : i32 to index
    %get3A_218 = tpu.vector_load %arg7[%get3A] {strides = array<i32>} : memref<1024xi32, #tpu.memory_space<vmem>>, vector<16xi32>,
    %mul3A_219 = arith.constant 2 : i32
    %mul3A_220 = arith.muli %mul3A_219, %add3A : i32
    %add3A_221 = arith.constant 1 : i32
    %add3A_222 = arith.addi %mul3A_220, %add3A_221 : i32
    %mul3A_223 = arith.constant 16 : i32
    %mul3A_224 = arith.muli %add3A_222, %mul3A_223 : i32
    %get3A_225 = arith.index_cast %mul3A_224 : i32 to index
    %get3A_226 = tpu.vector_load %arg7[%get3A_225] {strides = array<i32>} : memref<1024xi32, #tpu.memory_space<vmem>>, vector<16xi32>,
    %eq3A_227 = arith.constant 0 : i32
    %eq3A_228 = vector.broadcast %eq3A_227 : i32 to vector<16xi32>
    %eq3A_229 = arith.cmpi eq, %get3A_218, %eq3A_228 : vector<16xi32>
    %jit3A_230 = arith.constant 1 : i32
    %jit3A_231 = arith.constant 0 : i32
    %broadcast_in_dim3A_232 = vector.broadcast %jit3A_230 : i32 to vector<16xi32>
    %broadcast_in_dim3A_233 = vector.broadcast %jit3A_231 : i32 to vector<16xi32>
    %select_n3A_234 = arith.select %eq3A_229, %broadcast_in_dim3A_232, %broadcast_in_dim3A_233 : vector<16xi1>, vector<16xi32>
    %eq3A_235 = arith.constant 0 : i32
    %eq3A_236 = vector.broadcast %eq3A_235 : i32 to vector<16xi32>
    %eq3A_237 = arith.cmpi eq, %get3A_226, %eq3A_236 : vector<16xi32>
    %jit3A_238 = arith.constant 1 : i32
    %jit3A_239 = arith.constant 0 : i32
    %broadcast_in_dim3A_240 = vector.broadcast %jit3A_238 : i32 to vector<16xi32>
    %broadcast_in_dim3A_241 = vector.broadcast %jit3A_239 : i32 to vector<16xi32>
    %select_n3A_242 = arith.select %eq3A_237, %broadcast_in_dim3A_240, %broadcast_in_dim3A_241 : vector<16xi1>, vector<16xi32>
    %cumsum3A_243 = arith.constant true
    %cumsum3A_244 = vector.broadcast %cumsum3A_243 : i1 to vector<16xi1>
    %cumsum3A_245 = tpu.scan <sum>, %select_n3A_234 masked %cumsum3A_244 : vector<16xi32>, vector<16xi1> -> vector<16xi32>
    %cumsum3A_246 = arith.constant true
    %cumsum3A_247 = vector.broadcast %cumsum3A_246 : i1 to vector<16xi1>
    %cumsum3A_248 = tpu.scan <sum>, %select_n3A_242 masked %cumsum3A_247 : vector<16xi32>, vector<16xi1> -> vector<16xi32>
    %eq3A_249 = arith.constant 0 : i32
    %eq3A_250 = vector.broadcast %eq3A_249 : i32 to vector<16xi32>
    %eq3A_251 = arith.cmpi eq, %get3A_218, %eq3A_250 : vector<16xi32>
    %sub3A_252 = arith.constant 1 : i32
    %sub3A_253 = vector.broadcast %sub3A_252 : i32 to vector<16xi32>
    %sub3A_254 = arith.subi %cumsum3A_245, %sub3A_253 : vector<16xi32>
    %select_n3A_255 = arith.select %eq3A_251, %sub3A_254, %broadcast_in_dim3A_1 : vector<16xi1>, vector<16xi32>
    %eq3A_256 = arith.constant 0 : i32
    %eq3A_257 = vector.broadcast %eq3A_256 : i32 to vector<16xi32>
    %eq3A_258 = arith.cmpi eq, %iota3A, %eq3A_257 : vector<16xi32>
    %jit3A_259 = arith.constant 1 : i32
    %jit3A_260 = arith.constant 0 : i32
    %broadcast_in_dim3A_261 = vector.broadcast %jit3A_259 : i32 to vector<16xi32>
    %broadcast_in_dim3A_262 = vector.broadcast %jit3A_260 : i32 to vector<16xi32>
    %select_n3A_263 = arith.select %eq3A_258, %broadcast_in_dim3A_261, %broadcast_in_dim3A_262 : vector<16xi1>, vector<16xi32>
    %reduce_sum3A_264 = arith.constant true
    %reduce_sum3A_265 = vector.broadcast %reduce_sum3A_264 : i1 to vector<16xi1>
    %reduce_sum3A_266 = tpu.scan <sum>, %select_n3A_234 masked %reduce_sum3A_265 : vector<16xi32>, vector<16xi1> -> vector<16xi32>
    %reduce_sum3A_267 = vector.extract %reduce_sum3A_266[15] : i32 from vector<16xi32>
    %mul3A_268 = vector.broadcast %reduce_sum3A_267 : i32 to vector<16xi32>
    %mul3A_269 = arith.muli %select_n3A_263, %mul3A_268 : vector<16xi32>
    %add3A_270 = arith.addi %broadcast_in_dim3A_1, %mul3A_269 : vector<16xi32>
    %eq3A_271 = arith.constant 0 : i32
    %eq3A_272 = vector.broadcast %eq3A_271 : i32 to vector<16xi32>
    %eq3A_273 = arith.cmpi eq, %get3A_226, %eq3A_272 : vector<16xi32>
    %sub3A_274 = arith.constant 1 : i32
    %sub3A_275 = vector.broadcast %sub3A_274 : i32 to vector<16xi32>
    %sub3A_276 = arith.subi %cumsum3A_248, %sub3A_275 : vector<16xi32>
    %select_n3A_277 = arith.select %eq3A_273, %sub3A_276, %broadcast_in_dim3A_1 : vector<16xi1>, vector<16xi32>
    %eq3A_278 = arith.constant 1 : i32
    %eq3A_279 = vector.broadcast %eq3A_278 : i32 to vector<16xi32>
    %eq3A_280 = arith.cmpi eq, %get3A_218, %eq3A_279 : vector<16xi32>
    %jit3A_281 = arith.constant 1 : i32
    %jit3A_282 = arith.constant 0 : i32
    %broadcast_in_dim3A_283 = vector.broadcast %jit3A_281 : i32 to vector<16xi32>
    %broadcast_in_dim3A_284 = vector.broadcast %jit3A_282 : i32 to vector<16xi32>
    %select_n3A_285 = arith.select %eq3A_280, %broadcast_in_dim3A_283, %broadcast_in_dim3A_284 : vector<16xi1>, vector<16xi32>
    %eq3A_286 = arith.constant 1 : i32
    %eq3A_287 = vector.broadcast %eq3A_286 : i32 to vector<16xi32>
    %eq3A_288 = arith.cmpi eq, %get3A_226, %eq3A_287 : vector<16xi32>
    %jit3A_289 = arith.constant 1 : i32
    %jit3A_290 = arith.constant 0 : i32
    %broadcast_in_dim3A_291 = vector.broadcast %jit3A_289 : i32 to vector<16xi32>
    %broadcast_in_dim3A_292 = vector.broadcast %jit3A_290 : i32 to vector<16xi32>
    %select_n3A_293 = arith.select %eq3A_288, %broadcast_in_dim3A_291, %broadcast_in_dim3A_292 : vector<16xi1>, vector<16xi32>
    %cumsum3A_294 = arith.constant true
    %cumsum3A_295 = vector.broadcast %cumsum3A_294 : i1 to vector<16xi1>
    %cumsum3A_296 = tpu.scan <sum>, %select_n3A_285 masked %cumsum3A_295 : vector<16xi32>, vector<16xi1> -> vector<16xi32>
    %cumsum3A_297 = arith.constant true
    %cumsum3A_298 = vector.broadcast %cumsum3A_297 : i1 to vector<16xi1>
    %cumsum3A_299 = tpu.scan <sum>, %select_n3A_293 masked %cumsum3A_298 : vector<16xi32>, vector<16xi1> -> vector<16xi32>
    %eq3A_300 = arith.constant 1 : i32
    %eq3A_301 = vector.broadcast %eq3A_300 : i32 to vector<16xi32>
    %eq3A_302 = arith.cmpi eq, %get3A_218, %eq3A_301 : vector<16xi32>
    %sub3A_303 = arith.constant 1 : i32
    %sub3A_304 = vector.broadcast %sub3A_303 : i32 to vector<16xi32>
    %sub3A_305 = arith.subi %cumsum3A_296, %sub3A_304 : vector<16xi32>
    %select_n3A_306 = arith.select %eq3A_302, %sub3A_305, %select_n3A_255 : vector<16xi1>, vector<16xi32>
    %eq3A_307 = arith.constant 1 : i32
    %eq3A_308 = vector.broadcast %eq3A_307 : i32 to vector<16xi32>
    %eq3A_309 = arith.cmpi eq, %iota3A, %eq3A_308 : vector<16xi32>
    %jit3A_310 = arith.constant 1 : i32
    %jit3A_311 = arith.constant 0 : i32
    %broadcast_in_dim3A_312 = vector.broadcast %jit3A_310 : i32 to vector<16xi32>
    %broadcast_in_dim3A_313 = vector.broadcast %jit3A_311 : i32 to vector<16xi32>
    %select_n3A_314 = arith.select %eq3A_309, %broadcast_in_dim3A_312, %broadcast_in_dim3A_313 : vector<16xi1>, vector<16xi32>
    %reduce_sum3A_315 = arith.constant true
    %reduce_sum3A_316 = vector.broadcast %reduce_sum3A_315 : i1 to vector<16xi1>
    %reduce_sum3A_317 = tpu.scan <sum>, %select_n3A_285 masked %reduce_sum3A_316 : vector<16xi32>, vector<16xi1> -> vector<16xi32>
    %reduce_sum3A_318 = vector.extract %reduce_sum3A_317[15] : i32 from vector<16xi32>
    %mul3A_319 = vector.broadcast %reduce_sum3A_318 : i32 to vector<16xi32>
    %mul3A_320 = arith.muli %select_n3A_314, %mul3A_319 : vector<16xi32>
    %add3A_321 = arith.addi %add3A_270, %mul3A_320 : vector<16xi32>
    %eq3A_322 = arith.constant 1 : i32
    %eq3A_323 = vector.broadcast %eq3A_322 : i32 to vector<16xi32>
    %eq3A_324 = arith.cmpi eq, %get3A_226, %eq3A_323 : vector<16xi32>
    %sub3A_325 = arith.constant 1 : i32
    %sub3A_326 = vector.broadcast %sub3A_325 : i32 to vector<16xi32>
    %sub3A_327 = arith.subi %cumsum3A_299, %sub3A_326 : vector<16xi32>
    %select_n3A_328 = arith.select %eq3A_324, %sub3A_327, %select_n3A_277 : vector<16xi1>, vector<16xi32>
    %eq3A_329 = arith.constant 2 : i32
    %eq3A_330 = vector.broadcast %eq3A_329 : i32 to vector<16xi32>
    %eq3A_331 = arith.cmpi eq, %get3A_218, %eq3A_330 : vector<16xi32>
    %jit3A_332 = arith.constant 1 : i32
    %jit3A_333 = arith.constant 0 : i32
    %broadcast_in_dim3A_334 = vector.broadcast %jit3A_332 : i32 to vector<16xi32>
    %broadcast_in_dim3A_335 = vector.broadcast %jit3A_333 : i32 to vector<16xi32>
    %select_n3A_336 = arith.select %eq3A_331, %broadcast_in_dim3A_334, %broadcast_in_dim3A_335 : vector<16xi1>, vector<16xi32>
    %eq3A_337 = arith.constant 2 : i32
    %eq3A_338 = vector.broadcast %eq3A_337 : i32 to vector<16xi32>
    %eq3A_339 = arith.cmpi eq, %get3A_226, %eq3A_338 : vector<16xi32>
    %jit3A_340 = arith.constant 1 : i32
    %jit3A_341 = arith.constant 0 : i32
    %broadcast_in_dim3A_342 = vector.broadcast %jit3A_340 : i32 to vector<16xi32>
    %broadcast_in_dim3A_343 = vector.broadcast %jit3A_341 : i32 to vector<16xi32>
    %select_n3A_344 = arith.select %eq3A_339, %broadcast_in_dim3A_342, %broadcast_in_dim3A_343 : vector<16xi1>, vector<16xi32>
    %cumsum3A_345 = arith.constant true
    %cumsum3A_346 = vector.broadcast %cumsum3A_345 : i1 to vector<16xi1>
    %cumsum3A_347 = tpu.scan <sum>, %select_n3A_336 masked %cumsum3A_346 : vector<16xi32>, vector<16xi1> -> vector<16xi32>
    %cumsum3A_348 = arith.constant true
    %cumsum3A_349 = vector.broadcast %cumsum3A_348 : i1 to vector<16xi1>
    %cumsum3A_350 = tpu.scan <sum>, %select_n3A_344 masked %cumsum3A_349 : vector<16xi32>, vector<16xi1> -> vector<16xi32>
    %eq3A_351 = arith.constant 2 : i32
    %eq3A_352 = vector.broadcast %eq3A_351 : i32 to vector<16xi32>
    %eq3A_353 = arith.cmpi eq, %get3A_218, %eq3A_352 : vector<16xi32>
    %sub3A_354 = arith.constant 1 : i32
    %sub3A_355 = vector.broadcast %sub3A_354 : i32 to vector<16xi32>
    %sub3A_356 = arith.subi %cumsum3A_347, %sub3A_355 : vector<16xi32>
    %select_n3A_357 = arith.select %eq3A_353, %sub3A_356, %select_n3A_306 : vector<16xi1>, vector<16xi32>
    %eq3A_358 = arith.constant 2 : i32
    %eq3A_359 = vector.broadcast %eq3A_358 : i32 to vector<16xi32>
    %eq3A_360 = arith.cmpi eq, %iota3A, %eq3A_359 : vector<16xi32>
    %jit3A_361 = arith.constant 1 : i32
    %jit3A_362 = arith.constant 0 : i32
    %broadcast_in_dim3A_363 = vector.broadcast %jit3A_361 : i32 to vector<16xi32>
    %broadcast_in_dim3A_364 = vector.broadcast %jit3A_362 : i32 to vector<16xi32>
    %select_n3A_365 = arith.select %eq3A_360, %broadcast_in_dim3A_363, %broadcast_in_dim3A_364 : vector<16xi1>, vector<16xi32>
    %reduce_sum3A_366 = arith.constant true
    %reduce_sum3A_367 = vector.broadcast %reduce_sum3A_366 : i1 to vector<16xi1>
    %reduce_sum3A_368 = tpu.scan <sum>, %select_n3A_336 masked %reduce_sum3A_367 : vector<16xi32>, vector<16xi1> -> vector<16xi32>
    %reduce_sum3A_369 = vector.extract %reduce_sum3A_368[15] : i32 from vector<16xi32>
    %mul3A_370 = vector.broadcast %reduce_sum3A_369 : i32 to vector<16xi32>
    %mul3A_371 = arith.muli %select_n3A_365, %mul3A_370 : vector<16xi32>
    %add3A_372 = arith.addi %add3A_321, %mul3A_371 : vector<16xi32>
    %eq3A_373 = arith.constant 2 : i32
    %eq3A_374 = vector.broadcast %eq3A_373 : i32 to vector<16xi32>
    %eq3A_375 = arith.cmpi eq, %get3A_226, %eq3A_374 : vector<16xi32>
    %sub3A_376 = arith.constant 1 : i32
    %sub3A_377 = vector.broadcast %sub3A_376 : i32 to vector<16xi32>
    %sub3A_378 = arith.subi %cumsum3A_350, %sub3A_377 : vector<16xi32>
    %select_n3A_379 = arith.select %eq3A_375, %sub3A_378, %select_n3A_328 : vector<16xi1>, vector<16xi32>
    %eq3A_380 = arith.constant 3 : i32
    %eq3A_381 = vector.broadcast %eq3A_380 : i32 to vector<16xi32>
    %eq3A_382 = arith.cmpi eq, %get3A_218, %eq3A_381 : vector<16xi32>
    %jit3A_383 = arith.constant 1 : i32
    %jit3A_384 = arith.constant 0 : i32
    %broadcast_in_dim3A_385 = vector.broadcast %jit3A_383 : i32 to vector<16xi32>
    %broadcast_in_dim3A_386 = vector.broadcast %jit3A_384 : i32 to vector<16xi32>
    %select_n3A_387 = arith.select %eq3A_382, %broadcast_in_dim3A_385, %broadcast_in_dim3A_386 : vector<16xi1>, vector<16xi32>
    %eq3A_388 = arith.constant 3 : i32
    %eq3A_389 = vector.broadcast %eq3A_388 : i32 to vector<16xi32>
    %eq3A_390 = arith.cmpi eq, %get3A_226, %eq3A_389 : vector<16xi32>
    %jit3A_391 = arith.constant 1 : i32
    %jit3A_392 = arith.constant 0 : i32
    %broadcast_in_dim3A_393 = vector.broadcast %jit3A_391 : i32 to vector<16xi32>
    %broadcast_in_dim3A_394 = vector.broadcast %jit3A_392 : i32 to vector<16xi32>
    %select_n3A_395 = arith.select %eq3A_390, %broadcast_in_dim3A_393, %broadcast_in_dim3A_394 : vector<16xi1>, vector<16xi32>
    %cumsum3A_396 = arith.constant true
    %cumsum3A_397 = vector.broadcast %cumsum3A_396 : i1 to vector<16xi1>
    %cumsum3A_398 = tpu.scan <sum>, %select_n3A_387 masked %cumsum3A_397 : vector<16xi32>, vector<16xi1> -> vector<16xi32>
    %cumsum3A_399 = arith.constant true
    %cumsum3A_400 = vector.broadcast %cumsum3A_399 : i1 to vector<16xi1>
    %cumsum3A_401 = tpu.scan <sum>, %select_n3A_395 masked %cumsum3A_400 : vector<16xi32>, vector<16xi1> -> vector<16xi32>
    %eq3A_402 = arith.constant 3 : i32
    %eq3A_403 = vector.broadcast %eq3A_402 : i32 to vector<16xi32>
    %eq3A_404 = arith.cmpi eq, %get3A_218, %eq3A_403 : vector<16xi32>
    %sub3A_405 = arith.constant 1 : i32
    %sub3A_406 = vector.broadcast %sub3A_405 : i32 to vector<16xi32>
    %sub3A_407 = arith.subi %cumsum3A_398, %sub3A_406 : vector<16xi32>
    %select_n3A_408 = arith.select %eq3A_404, %sub3A_407, %select_n3A_357 : vector<16xi1>, vector<16xi32>
    %eq3A_409 = arith.constant 3 : i32
    %eq3A_410 = vector.broadcast %eq3A_409 : i32 to vector<16xi32>
    %eq3A_411 = arith.cmpi eq, %iota3A, %eq3A_410 : vector<16xi32>
    %jit3A_412 = arith.constant 1 : i32
    %jit3A_413 = arith.constant 0 : i32
    %broadcast_in_dim3A_414 = vector.broadcast %jit3A_412 : i32 to vector<16xi32>
    %broadcast_in_dim3A_415 = vector.broadcast %jit3A_413 : i32 to vector<16xi32>
    %select_n3A_416 = arith.select %eq3A_411, %broadcast_in_dim3A_414, %broadcast_in_dim3A_415 : vector<16xi1>, vector<16xi32>
    %reduce_sum3A_417 = arith.constant true
    %reduce_sum3A_418 = vector.broadcast %reduce_sum3A_417 : i1 to vector<16xi1>
    %reduce_sum3A_419 = tpu.scan <sum>, %select_n3A_387 masked %reduce_sum3A_418 : vector<16xi32>, vector<16xi1> -> vector<16xi32>
    %reduce_sum3A_420 = vector.extract %reduce_sum3A_419[15] : i32 from vector<16xi32>
    %mul3A_421 = vector.broadcast %reduce_sum3A_420 : i32 to vector<16xi32>
    %mul3A_422 = arith.muli %select_n3A_416, %mul3A_421 : vector<16xi32>
    %add3A_423 = arith.addi %add3A_372, %mul3A_422 : vector<16xi32>
    %eq3A_424 = arith.constant 3 : i32
    %eq3A_425 = vector.broadcast %eq3A_424 : i32 to vector<16xi32>
    %eq3A_426 = arith.cmpi eq, %get3A_226, %eq3A_425 : vector<16xi32>
    %sub3A_427 = arith.constant 1 : i32
    %sub3A_428 = vector.broadcast %sub3A_427 : i32 to vector<16xi32>
    %sub3A_429 = arith.subi %cumsum3A_401, %sub3A_428 : vector<16xi32>
    %select_n3A_430 = arith.select %eq3A_426, %sub3A_429, %select_n3A_379 : vector<16xi1>, vector<16xi32>
    %eq3A_431 = arith.constant 4 : i32
    %eq3A_432 = vector.broadcast %eq3A_431 : i32 to vector<16xi32>
    %eq3A_433 = arith.cmpi eq, %get3A_218, %eq3A_432 : vector<16xi32>
    %jit3A_434 = arith.constant 1 : i32
    %jit3A_435 = arith.constant 0 : i32
    %broadcast_in_dim3A_436 = vector.broadcast %jit3A_434 : i32 to vector<16xi32>
    %broadcast_in_dim3A_437 = vector.broadcast %jit3A_435 : i32 to vector<16xi32>
    %select_n3A_438 = arith.select %eq3A_433, %broadcast_in_dim3A_436, %broadcast_in_dim3A_437 : vector<16xi1>, vector<16xi32>
    %eq3A_439 = arith.constant 4 : i32
    %eq3A_440 = vector.broadcast %eq3A_439 : i32 to vector<16xi32>
    %eq3A_441 = arith.cmpi eq, %get3A_226, %eq3A_440 : vector<16xi32>
    %jit3A_442 = arith.constant 1 : i32
    %jit3A_443 = arith.constant 0 : i32
    %broadcast_in_dim3A_444 = vector.broadcast %jit3A_442 : i32 to vector<16xi32>
    %broadcast_in_dim3A_445 = vector.broadcast %jit3A_443 : i32 to vector<16xi32>
    %select_n3A_446 = arith.select %eq3A_441, %broadcast_in_dim3A_444, %broadcast_in_dim3A_445 : vector<16xi1>, vector<16xi32>
    %cumsum3A_447 = arith.constant true
    %cumsum3A_448 = vector.broadcast %cumsum3A_447 : i1 to vector<16xi1>
    %cumsum3A_449 = tpu.scan <sum>, %select_n3A_438 masked %cumsum3A_448 : vector<16xi32>, vector<16xi1> -> vector<16xi32>
    %cumsum3A_450 = arith.constant true
    %cumsum3A_451 = vector.broadcast %cumsum3A_450 : i1 to vector<16xi1>
    %cumsum3A_452 = tpu.scan <sum>, %select_n3A_446 masked %cumsum3A_451 : vector<16xi32>, vector<16xi1> -> vector<16xi32>
    %eq3A_453 = arith.constant 4 : i32
    %eq3A_454 = vector.broadcast %eq3A_453 : i32 to vector<16xi32>
    %eq3A_455 = arith.cmpi eq, %get3A_218, %eq3A_454 : vector<16xi32>
    %sub3A_456 = arith.constant 1 : i32
    %sub3A_457 = vector.broadcast %sub3A_456 : i32 to vector<16xi32>
    %sub3A_458 = arith.subi %cumsum3A_449, %sub3A_457 : vector<16xi32>
    %select_n3A_459 = arith.select %eq3A_455, %sub3A_458, %select_n3A_408 : vector<16xi1>, vector<16xi32>
    %eq3A_460 = arith.constant 4 : i32
    %eq3A_461 = vector.broadcast %eq3A_460 : i32 to vector<16xi32>
    %eq3A_462 = arith.cmpi eq, %iota3A, %eq3A_461 : vector<16xi32>
    %jit3A_463 = arith.constant 1 : i32
    %jit3A_464 = arith.constant 0 : i32
    %broadcast_in_dim3A_465 = vector.broadcast %jit3A_463 : i32 to vector<16xi32>
    %broadcast_in_dim3A_466 = vector.broadcast %jit3A_464 : i32 to vector<16xi32>
    %select_n3A_467 = arith.select %eq3A_462, %broadcast_in_dim3A_465, %broadcast_in_dim3A_466 : vector<16xi1>, vector<16xi32>
    %reduce_sum3A_468 = arith.constant true
    %reduce_sum3A_469 = vector.broadcast %reduce_sum3A_468 : i1 to vector<16xi1>
    %reduce_sum3A_470 = tpu.scan <sum>, %select_n3A_438 masked %reduce_sum3A_469 : vector<16xi32>, vector<16xi1> -> vector<16xi32>
    %reduce_sum3A_471 = vector.extract %reduce_sum3A_470[15] : i32 from vector<16xi32>
    %mul3A_472 = vector.broadcast %reduce_sum3A_471 : i32 to vector<16xi32>
    %mul3A_473 = arith.muli %select_n3A_467, %mul3A_472 : vector<16xi32>
    %add3A_474 = arith.addi %add3A_423, %mul3A_473 : vector<16xi32>
    %eq3A_475 = arith.constant 4 : i32
    %eq3A_476 = vector.broadcast %eq3A_475 : i32 to vector<16xi32>
    %eq3A_477 = arith.cmpi eq, %get3A_226, %eq3A_476 : vector<16xi32>
    %sub3A_478 = arith.constant 1 : i32
    %sub3A_479 = vector.broadcast %sub3A_478 : i32 to vector<16xi32>
    %sub3A_480 = arith.subi %cumsum3A_452, %sub3A_479 : vector<16xi32>
    %select_n3A_481 = arith.select %eq3A_477, %sub3A_480, %select_n3A_430 : vector<16xi1>, vector<16xi32>
    %eq3A_482 = arith.constant 5 : i32
    %eq3A_483 = vector.broadcast %eq3A_482 : i32 to vector<16xi32>
    %eq3A_484 = arith.cmpi eq, %get3A_218, %eq3A_483 : vector<16xi32>
    %jit3A_485 = arith.constant 1 : i32
    %jit3A_486 = arith.constant 0 : i32
    %broadcast_in_dim3A_487 = vector.broadcast %jit3A_485 : i32 to vector<16xi32>
    %broadcast_in_dim3A_488 = vector.broadcast %jit3A_486 : i32 to vector<16xi32>
    %select_n3A_489 = arith.select %eq3A_484, %broadcast_in_dim3A_487, %broadcast_in_dim3A_488 : vector<16xi1>, vector<16xi32>
    %eq3A_490 = arith.constant 5 : i32
    %eq3A_491 = vector.broadcast %eq3A_490 : i32 to vector<16xi32>
    %eq3A_492 = arith.cmpi eq, %get3A_226, %eq3A_491 : vector<16xi32>
    %jit3A_493 = arith.constant 1 : i32
    %jit3A_494 = arith.constant 0 : i32
    %broadcast_in_dim3A_495 = vector.broadcast %jit3A_493 : i32 to vector<16xi32>
    %broadcast_in_dim3A_496 = vector.broadcast %jit3A_494 : i32 to vector<16xi32>
    %select_n3A_497 = arith.select %eq3A_492, %broadcast_in_dim3A_495, %broadcast_in_dim3A_496 : vector<16xi1>, vector<16xi32>
    %cumsum3A_498 = arith.constant true
    %cumsum3A_499 = vector.broadcast %cumsum3A_498 : i1 to vector<16xi1>
    %cumsum3A_500 = tpu.scan <sum>, %select_n3A_489 masked %cumsum3A_499 : vector<16xi32>, vector<16xi1> -> vector<16xi32>
    %cumsum3A_501 = arith.constant true
    %cumsum3A_502 = vector.broadcast %cumsum3A_501 : i1 to vector<16xi1>
    %cumsum3A_503 = tpu.scan <sum>, %select_n3A_497 masked %cumsum3A_502 : vector<16xi32>, vector<16xi1> -> vector<16xi32>
    %eq3A_504 = arith.constant 5 : i32
    %eq3A_505 = vector.broadcast %eq3A_504 : i32 to vector<16xi32>
    %eq3A_506 = arith.cmpi eq, %get3A_218, %eq3A_505 : vector<16xi32>
    %sub3A_507 = arith.constant 1 : i32
    %sub3A_508 = vector.broadcast %sub3A_507 : i32 to vector<16xi32>
    %sub3A_509 = arith.subi %cumsum3A_500, %sub3A_508 : vector<16xi32>
    %select_n3A_510 = arith.select %eq3A_506, %sub3A_509, %select_n3A_459 : vector<16xi1>, vector<16xi32>
    %eq3A_511 = arith.constant 5 : i32
    %eq3A_512 = vector.broadcast %eq3A_511 : i32 to vector<16xi32>
    %eq3A_513 = arith.cmpi eq, %iota3A, %eq3A_512 : vector<16xi32>
    %jit3A_514 = arith.constant 1 : i32
    %jit3A_515 = arith.constant 0 : i32
    %broadcast_in_dim3A_516 = vector.broadcast %jit3A_514 : i32 to vector<16xi32>
    %broadcast_in_dim3A_517 = vector.broadcast %jit3A_515 : i32 to vector<16xi32>
    %select_n3A_518 = arith.select %eq3A_513, %broadcast_in_dim3A_516, %broadcast_in_dim3A_517 : vector<16xi1>, vector<16xi32>
    %reduce_sum3A_519 = arith.constant true
    %reduce_sum3A_520 = vector.broadcast %reduce_sum3A_519 : i1 to vector<16xi1>
    %reduce_sum3A_521 = tpu.scan <sum>, %select_n3A_489 masked %reduce_sum3A_520 : vector<16xi32>, vector<16xi1> -> vector<16xi32>
    %reduce_sum3A_522 = vector.extract %reduce_sum3A_521[15] : i32 from vector<16xi32>
    %mul3A_523 = vector.broadcast %reduce_sum3A_522 : i32 to vector<16xi32>
    %mul3A_524 = arith.muli %select_n3A_518, %mul3A_523 : vector<16xi32>
    %add3A_525 = arith.addi %add3A_474, %mul3A_524 : vector<16xi32>
    %eq3A_526 = arith.constant 5 : i32
    %eq3A_527 = vector.broadcast %eq3A_526 : i32 to vector<16xi32>
    %eq3A_528 = arith.cmpi eq, %get3A_226, %eq3A_527 : vector<16xi32>
    %sub3A_529 = arith.constant 1 : i32
    %sub3A_530 = vector.broadcast %sub3A_529 : i32 to vector<16xi32>
    %sub3A_531 = arith.subi %cumsum3A_503, %sub3A_530 : vector<16xi32>
    %select_n3A_532 = arith.select %eq3A_528, %sub3A_531, %select_n3A_481 : vector<16xi1>, vector<16xi32>
    %eq3A_533 = arith.constant 6 : i32
    %eq3A_534 = vector.broadcast %eq3A_533 : i32 to vector<16xi32>
    %eq3A_535 = arith.cmpi eq, %get3A_218, %eq3A_534 : vector<16xi32>
    %jit3A_536 = arith.constant 1 : i32
    %jit3A_537 = arith.constant 0 : i32
    %broadcast_in_dim3A_538 = vector.broadcast %jit3A_536 : i32 to vector<16xi32>
    %broadcast_in_dim3A_539 = vector.broadcast %jit3A_537 : i32 to vector<16xi32>
    %select_n3A_540 = arith.select %eq3A_535, %broadcast_in_dim3A_538, %broadcast_in_dim3A_539 : vector<16xi1>, vector<16xi32>
    %eq3A_541 = arith.constant 6 : i32
    %eq3A_542 = vector.broadcast %eq3A_541 : i32 to vector<16xi32>
    %eq3A_543 = arith.cmpi eq, %get3A_226, %eq3A_542 : vector<16xi32>
    %jit3A_544 = arith.constant 1 : i32
    %jit3A_545 = arith.constant 0 : i32
    %broadcast_in_dim3A_546 = vector.broadcast %jit3A_544 : i32 to vector<16xi32>
    %broadcast_in_dim3A_547 = vector.broadcast %jit3A_545 : i32 to vector<16xi32>
    %select_n3A_548 = arith.select %eq3A_543, %broadcast_in_dim3A_546, %broadcast_in_dim3A_547 : vector<16xi1>, vector<16xi32>
    %cumsum3A_549 = arith.constant true
    %cumsum3A_550 = vector.broadcast %cumsum3A_549 : i1 to vector<16xi1>
    %cumsum3A_551 = tpu.scan <sum>, %select_n3A_540 masked %cumsum3A_550 : vector<16xi32>, vector<16xi1> -> vector<16xi32>
    %cumsum3A_552 = arith.constant true
    %cumsum3A_553 = vector.broadcast %cumsum3A_552 : i1 to vector<16xi1>
    %cumsum3A_554 = tpu.scan <sum>, %select_n3A_548 masked %cumsum3A_553 : vector<16xi32>, vector<16xi1> -> vector<16xi32>
    %eq3A_555 = arith.constant 6 : i32
    %eq3A_556 = vector.broadcast %eq3A_555 : i32 to vector<16xi32>
    %eq3A_557 = arith.cmpi eq, %get3A_218, %eq3A_556 : vector<16xi32>
    %sub3A_558 = arith.constant 1 : i32
    %sub3A_559 = vector.broadcast %sub3A_558 : i32 to vector<16xi32>
    %sub3A_560 = arith.subi %cumsum3A_551, %sub3A_559 : vector<16xi32>
    %select_n3A_561 = arith.select %eq3A_557, %sub3A_560, %select_n3A_510 : vector<16xi1>, vector<16xi32>
    %eq3A_562 = arith.constant 6 : i32
    %eq3A_563 = vector.broadcast %eq3A_562 : i32 to vector<16xi32>
    %eq3A_564 = arith.cmpi eq, %iota3A, %eq3A_563 : vector<16xi32>
    %jit3A_565 = arith.constant 1 : i32
    %jit3A_566 = arith.constant 0 : i32
    %broadcast_in_dim3A_567 = vector.broadcast %jit3A_565 : i32 to vector<16xi32>
    %broadcast_in_dim3A_568 = vector.broadcast %jit3A_566 : i32 to vector<16xi32>
    %select_n3A_569 = arith.select %eq3A_564, %broadcast_in_dim3A_567, %broadcast_in_dim3A_568 : vector<16xi1>, vector<16xi32>
    %reduce_sum3A_570 = arith.constant true
    %reduce_sum3A_571 = vector.broadcast %reduce_sum3A_570 : i1 to vector<16xi1>
    %reduce_sum3A_572 = tpu.scan <sum>, %select_n3A_540 masked %reduce_sum3A_571 : vector<16xi32>, vector<16xi1> -> vector<16xi32>
    %reduce_sum3A_573 = vector.extract %reduce_sum3A_572[15] : i32 from vector<16xi32>
    %mul3A_574 = vector.broadcast %reduce_sum3A_573 : i32 to vector<16xi32>
    %mul3A_575 = arith.muli %select_n3A_569, %mul3A_574 : vector<16xi32>
    %add3A_576 = arith.addi %add3A_525, %mul3A_575 : vector<16xi32>
    %eq3A_577 = arith.constant 6 : i32
    %eq3A_578 = vector.broadcast %eq3A_577 : i32 to vector<16xi32>
    %eq3A_579 = arith.cmpi eq, %get3A_226, %eq3A_578 : vector<16xi32>
    %sub3A_580 = arith.constant 1 : i32
    %sub3A_581 = vector.broadcast %sub3A_580 : i32 to vector<16xi32>
    %sub3A_582 = arith.subi %cumsum3A_554, %sub3A_581 : vector<16xi32>
    %select_n3A_583 = arith.select %eq3A_579, %sub3A_582, %select_n3A_532 : vector<16xi1>, vector<16xi32>
    %eq3A_584 = arith.constant 7 : i32
    %eq3A_585 = vector.broadcast %eq3A_584 : i32 to vector<16xi32>
    %eq3A_586 = arith.cmpi eq, %get3A_218, %eq3A_585 : vector<16xi32>
    %jit3A_587 = arith.constant 1 : i32
    %jit3A_588 = arith.constant 0 : i32
    %broadcast_in_dim3A_589 = vector.broadcast %jit3A_587 : i32 to vector<16xi32>
    %broadcast_in_dim3A_590 = vector.broadcast %jit3A_588 : i32 to vector<16xi32>
    %select_n3A_591 = arith.select %eq3A_586, %broadcast_in_dim3A_589, %broadcast_in_dim3A_590 : vector<16xi1>, vector<16xi32>
    %eq3A_592 = arith.constant 7 : i32
    %eq3A_593 = vector.broadcast %eq3A_592 : i32 to vector<16xi32>
    %eq3A_594 = arith.cmpi eq, %get3A_226, %eq3A_593 : vector<16xi32>
    %jit3A_595 = arith.constant 1 : i32
    %jit3A_596 = arith.constant 0 : i32
    %broadcast_in_dim3A_597 = vector.broadcast %jit3A_595 : i32 to vector<16xi32>
    %broadcast_in_dim3A_598 = vector.broadcast %jit3A_596 : i32 to vector<16xi32>
    %select_n3A_599 = arith.select %eq3A_594, %broadcast_in_dim3A_597, %broadcast_in_dim3A_598 : vector<16xi1>, vector<16xi32>
    %cumsum3A_600 = arith.constant true
    %cumsum3A_601 = vector.broadcast %cumsum3A_600 : i1 to vector<16xi1>
    %cumsum3A_602 = tpu.scan <sum>, %select_n3A_591 masked %cumsum3A_601 : vector<16xi32>, vector<16xi1> -> vector<16xi32>
    %cumsum3A_603 = arith.constant true
    %cumsum3A_604 = vector.broadcast %cumsum3A_603 : i1 to vector<16xi1>
    %cumsum3A_605 = tpu.scan <sum>, %select_n3A_599 masked %cumsum3A_604 : vector<16xi32>, vector<16xi1> -> vector<16xi32>
    %eq3A_606 = arith.constant 7 : i32
    %eq3A_607 = vector.broadcast %eq3A_606 : i32 to vector<16xi32>
    %eq3A_608 = arith.cmpi eq, %get3A_218, %eq3A_607 : vector<16xi32>
    %sub3A_609 = arith.constant 1 : i32
    %sub3A_610 = vector.broadcast %sub3A_609 : i32 to vector<16xi32>
    %sub3A_611 = arith.subi %cumsum3A_602, %sub3A_610 : vector<16xi32>
    %select_n3A_612 = arith.select %eq3A_608, %sub3A_611, %select_n3A_561 : vector<16xi1>, vector<16xi32>
    %eq3A_613 = arith.constant 7 : i32
    %eq3A_614 = vector.broadcast %eq3A_613 : i32 to vector<16xi32>
    %eq3A_615 = arith.cmpi eq, %iota3A, %eq3A_614 : vector<16xi32>
    %jit3A_616 = arith.constant 1 : i32
    %jit3A_617 = arith.constant 0 : i32
    %broadcast_in_dim3A_618 = vector.broadcast %jit3A_616 : i32 to vector<16xi32>
    %broadcast_in_dim3A_619 = vector.broadcast %jit3A_617 : i32 to vector<16xi32>
    %select_n3A_620 = arith.select %eq3A_615, %broadcast_in_dim3A_618, %broadcast_in_dim3A_619 : vector<16xi1>, vector<16xi32>
    %reduce_sum3A_621 = arith.constant true
    %reduce_sum3A_622 = vector.broadcast %reduce_sum3A_621 : i1 to vector<16xi1>
    %reduce_sum3A_623 = tpu.scan <sum>, %select_n3A_591 masked %reduce_sum3A_622 : vector<16xi32>, vector<16xi1> -> vector<16xi32>
    %reduce_sum3A_624 = vector.extract %reduce_sum3A_623[15] : i32 from vector<16xi32>
    %mul3A_625 = vector.broadcast %reduce_sum3A_624 : i32 to vector<16xi32>
    %mul3A_626 = arith.muli %select_n3A_620, %mul3A_625 : vector<16xi32>
    %add3A_627 = arith.addi %add3A_576, %mul3A_626 : vector<16xi32>
    %eq3A_628 = arith.constant 7 : i32
    %eq3A_629 = vector.broadcast %eq3A_628 : i32 to vector<16xi32>
    %eq3A_630 = arith.cmpi eq, %get3A_226, %eq3A_629 : vector<16xi32>
    %sub3A_631 = arith.constant 1 : i32
    %sub3A_632 = vector.broadcast %sub3A_631 : i32 to vector<16xi32>
    %sub3A_633 = arith.subi %cumsum3A_605, %sub3A_632 : vector<16xi32>
    %select_n3A_634 = arith.select %eq3A_630, %sub3A_633, %select_n3A_583 : vector<16xi1>, vector<16xi32>
    %broadcast_in_dim3A_635 = vector.shape_cast %get3A_218 : vector<16xi32> to vector<16x1xi32>
    %gather3A = vector.shape_cast %broadcast_in_dim3A_635 : vector<16x1xi32> to vector<16xi32>
    %gather3A_636 = tpu.dynamic_gather %add3A_213[%gather3A] in [0] : vector<16xi32>, vector<16xi32> -> vector<16xi32>
    %add3A_637 = arith.addi %gather3A_636, %select_n3A_612 : vector<16xi32>
    %add3A_638 = arith.addi %add3A_213, %add3A_627 : vector<16xi32>
    %broadcast_in_dim3A_639 = vector.shape_cast %get3A_226 : vector<16xi32> to vector<16x1xi32>
    %gather3A_640 = vector.shape_cast %broadcast_in_dim3A_639 : vector<16x1xi32> to vector<16xi32>
    %gather3A_641 = tpu.dynamic_gather %add3A_638[%gather3A_640] in [0] : vector<16xi32>, vector<16xi32> -> vector<16xi32>
    %add3A_642 = arith.addi %gather3A_641, %select_n3A_634 : vector<16xi32>
    %sub3A_643 = arith.constant 1 : i32
    %sub3A_644 = vector.broadcast %sub3A_643 : i32 to vector<16xi32>
    %sub3A_645 = arith.subi %iota3A, %sub3A_644 : vector<16xi32>
    %max3A = arith.constant 0 : i32
    %max3A_646 = vector.broadcast %max3A : i32 to vector<16xi32>
    %max3A_647 = arith.maxsi %sub3A_645, %max3A_646 : vector<16xi32>
    %broadcast_in_dim3A_648 = vector.shape_cast %max3A_647 : vector<16xi32> to vector<16x1xi32>
    %gather3A_649 = vector.shape_cast %broadcast_in_dim3A_648 : vector<16x1xi32> to vector<16xi32>
    %gather3A_650 = tpu.dynamic_gather %cumsum3A_208[%gather3A_649] in [0] : vector<16xi32>, vector<16xi32> -> vector<16xi32>
    %eq3A_651 = arith.constant 0 : i32
    %eq3A_652 = vector.broadcast %eq3A_651 : i32 to vector<16xi32>
    %eq3A_653 = arith.cmpi eq, %iota3A, %eq3A_652 : vector<16xi32>
    %jit3A_654 = arith.constant 0 : i32
    %jit3A_655 = arith.constant 1 : i32
    %broadcast_in_dim3A_656 = vector.broadcast %jit3A_654 : i32 to vector<16xi32>
    %broadcast_in_dim3A_657 = vector.broadcast %jit3A_655 : i32 to vector<16xi32>
    %select_n3A_658 = arith.select %eq3A_653, %broadcast_in_dim3A_656, %broadcast_in_dim3A_657 : vector<16xi1>, vector<16xi32>
    %mul3A_659 = arith.muli %gather3A_650, %select_n3A_658 : vector<16xi32>
    %gt3A = arith.constant 8 : i32
    %gt3A_660 = vector.broadcast %gt3A : i32 to vector<16xi32>
    %gt3A_661 = arith.cmpi sgt, %iota3A, %gt3A_660 : vector<16xi32>
    %jit3A_662 = arith.constant 0 : i32
    %jit3A_663 = arith.constant 1 : i32
    %broadcast_in_dim3A_664 = vector.broadcast %jit3A_662 : i32 to vector<16xi32>
    %broadcast_in_dim3A_665 = vector.broadcast %jit3A_663 : i32 to vector<16xi32>
    %select_n3A_666 = arith.select %gt3A_661, %broadcast_in_dim3A_664, %broadcast_in_dim3A_665 : vector<16xi1>, vector<16xi32>
    %mul3A_667 = arith.muli %mul3A_659, %select_n3A_666 : vector<16xi32>
    %gt3A_668 = arith.constant 8 : i32
    %gt3A_669 = vector.broadcast %gt3A_668 : i32 to vector<16xi32>
    %gt3A_670 = arith.cmpi sgt, %iota3A, %gt3A_669 : vector<16xi32>
    %jit3A_671 = arith.constant 16 : i32
    %jit3A_672 = arith.constant 0 : i32
    %broadcast_in_dim3A_673 = vector.broadcast %jit3A_671 : i32 to vector<16xi32>
    %broadcast_in_dim3A_674 = vector.broadcast %jit3A_672 : i32 to vector<16xi32>
    %select_n3A_675 = arith.select %gt3A_670, %broadcast_in_dim3A_673, %broadcast_in_dim3A_674 : vector<16xi1>, vector<16xi32>
    %add3A_676 = arith.addi %mul3A_667, %select_n3A_675 : vector<16xi32>
    %swap3A = arith.constant 0 : index
    %swap3A_677 = tpu.vector_load %arg8[%swap3A] {strides = array<i32>} : memref<32xi32, #tpu.memory_space<vmem>>, vector<16xi32>,
    tpu.vector_store %arg8[%swap3A], %add3A_637 {strides = array<i32>} : memref<32xi32, #tpu.memory_space<vmem>>, vector<16xi32>,
    %swap3A_678 = arith.constant 16 : index
    %swap3A_679 = tpu.vector_load %arg8[%swap3A_678] {strides = array<i32>} : memref<32xi32, #tpu.memory_space<vmem>>, vector<16xi32>,
    tpu.vector_store %arg8[%swap3A_678], %add3A_642 {strides = array<i32>} : memref<32xi32, #tpu.memory_space<vmem>>, vector<16xi32>,
    %mul3A_680 = arith.constant 32 : i32
    %mul3A_681 = arith.muli %add3A, %mul3A_680 : i32
    "tpu.region"() ({
      %run_scoped3A = tpu.sem_alloc : memref<!tpu.dma_semaphore, #tpu.memory_space<semaphore_mem>>
      %dma_start3A_691 = tpu.memref_slice %arg5[%mul3A_681] : memref<1024xi32, #tpu.memory_space<hbm>> -> memref<32xi32, #tpu.memory_space<hbm>>
      %dma_start3A_692 = tpu.memref_slice %arg5[%mul3A_681] : memref<1024xi32, #tpu.memory_space<hbm>> -> memref<32xi32, #tpu.memory_space<hbm>>
      tpu.enqueue_dma source(%arg8 : memref<32xi32, #tpu.memory_space<vmem>>) target(%dma_start3A_692 : memref<32xi32, #tpu.memory_space<hbm>>) target_semaphore(%run_scoped3A : memref<!tpu.dma_semaphore, #tpu.memory_space<semaphore_mem>>)
      %dma_wait3A_693 = tpu.memref_slice %arg5[%mul3A_681] : memref<1024xi32, #tpu.memory_space<hbm>> -> memref<32xi32, #tpu.memory_space<hbm>>
      %dma_wait3A_694 = tpu.memref_slice %arg5[%mul3A_681] : memref<1024xi32, #tpu.memory_space<hbm>> -> memref<32xi32, #tpu.memory_space<hbm>>
      tpu.wait_dma2 semaphore(%run_scoped3A : memref<!tpu.dma_semaphore, #tpu.memory_space<semaphore_mem>>) src(%arg8 : memref<32xi32, #tpu.memory_space<vmem>>) dst(%dma_wait3A_694 : memref<32xi32, #tpu.memory_space<hbm>>)
      tpu.yield
    }) : () -> ()
    %mul3A_682 = arith.constant 32 : i32
    %mul3A_683 = arith.muli %add3A, %mul3A_682 : i32
    "tpu.region"() ({
      %run_scoped3A = tpu.sem_alloc : memref<!tpu.dma_semaphore, #tpu.memory_space<semaphore_mem>>
      %dma_start3A_691 = arith.constant 0 : i32
      %dma_start3A_692 = tpu.memref_slice %arg3[%mul3A_683, %dma_start3A_691] : memref<1024x512xf32, #tpu.memory_space<hbm>> -> memref<32x512xf32, #tpu.memory_space<hbm>>
      %dma_start3A_693 = arith.constant 0 : i32
      %dma_start3A_694 = tpu.memref_slice %arg3[%mul3A_683, %dma_start3A_693] : memref<1024x512xf32, #tpu.memory_space<hbm>> -> memref<32x512xf32, #tpu.memory_space<hbm>>
      tpu.enqueue_dma source(%dma_start3A_694 : memref<32x512xf32, #tpu.memory_space<hbm>>) target(%arg9 : memref<32x512xf32, #tpu.memory_space<vmem>>) target_semaphore(%run_scoped3A : memref<!tpu.dma_semaphore, #tpu.memory_space<semaphore_mem>>)
      %dma_wait3A_695 = arith.constant 0 : i32
      %dma_wait3A_696 = tpu.memref_slice %arg3[%mul3A_683, %dma_wait3A_695] : memref<1024x512xf32, #tpu.memory_space<hbm>> -> memref<32x512xf32, #tpu.memory_space<hbm>>
      %dma_wait3A_697 = arith.constant 0 : i32
      %dma_wait3A_698 = tpu.memref_slice %arg3[%mul3A_683, %dma_wait3A_697] : memref<1024x512xf32, #tpu.memory_space<hbm>> -> memref<32x512xf32, #tpu.memory_space<hbm>>
      tpu.wait_dma2 semaphore(%run_scoped3A : memref<!tpu.dma_semaphore, #tpu.memory_space<semaphore_mem>>) src(%dma_wait3A_698 : memref<32x512xf32, #tpu.memory_space<hbm>>) dst(%arg9 : memref<32x512xf32, #tpu.memory_space<vmem>>)
      tpu.yield
    }) : () -> ()
    %dma_start3A = arith.constant 0 : i32
    %dma_start3A_684 = arith.constant 0 : i32
    %dma_start3A_685 = tpu.memref_slice %arg4[%dma_start3A, %dma_start3A_684] : memref<2048x512xf32, #tpu.memory_space<hbm>> -> memref<2048x512xf32, #tpu.memory_space<hbm>>
    tpu.enqueue_indirect_dma source(%arg9 : memref<32x512xf32, #tpu.memory_space<vmem>>) target(%dma_start3A_685 : memref<2048x512xf32, #tpu.memory_space<hbm>>) offsets(%arg8 : memref<32xi32, #tpu.memory_space<vmem>>) semaphore(%arg11 : memref<!tpu.dma_semaphore, #tpu.memory_space<semaphore_mem>>)
    %dma_wait3A = arith.constant 0 : i32
    %dma_wait3A_686 = arith.constant 0 : i32
    %dma_wait3A_687 = tpu.memref_slice %arg4[%dma_wait3A, %dma_wait3A_686] : memref<2048x512xf32, #tpu.memory_space<hbm>> -> memref<2048x512xf32, #tpu.memory_space<hbm>>
    tpu.wait_indirect_dma semaphore(%arg11 : memref<!tpu.dma_semaphore, #tpu.memory_space<semaphore_mem>>) src(%arg9 : memref<32x512xf32, #tpu.memory_space<vmem>>) dst(%dma_wait3A_687 : memref<2048x512xf32, #tpu.memory_space<hbm>>)
    %eq3A_688 = arith.constant 0 : i32
    %eq3A_689 = arith.cmpi eq, %add3A, %eq3A_688 : i32
    %convert_element_type3A = arith.extui %eq3A_689 : i1 to i32
    %cond3A = arith.constant 0 : i32
    %cond3A_690 = arith.cmpi ne, %convert_element_type3A, %cond3A : i32
    scf.if %cond3A_690 {
      %swap3A_691 = arith.constant 0 : index
      %swap3A_692 = tpu.vector_load %arg10[%swap3A_691] {strides = array<i32>} : memref<32xi32, #tpu.memory_space<vmem>>, vector<16xi32>,
      tpu.vector_store %arg10[%swap3A_691], %add3A_676 {strides = array<i32>} : memref<32xi32, #tpu.memory_space<vmem>>, vector<16xi32>,
      %swap3A_693 = arith.constant 16 : index
      %swap3A_694 = tpu.vector_load %arg10[%swap3A_693] {strides = array<i32>} : memref<32xi32, #tpu.memory_space<vmem>>, vector<16xi32>,
      tpu.vector_store %arg10[%swap3A_693], %add3A_171 {strides = array<i32>} : memref<32xi32, #tpu.memory_space<vmem>>, vector<16xi32>,
      "tpu.region"() ({
        %run_scoped3A = tpu.sem_alloc : memref<!tpu.dma_semaphore, #tpu.memory_space<semaphore_mem>>
        tpu.enqueue_dma source(%arg10 : memref<32xi32, #tpu.memory_space<vmem>>) target(%arg6 : memref<32xi32, #tpu.memory_space<hbm>>) target_semaphore(%run_scoped3A : memref<!tpu.dma_semaphore, #tpu.memory_space<semaphore_mem>>)
        tpu.wait_dma2 semaphore(%run_scoped3A : memref<!tpu.dma_semaphore, #tpu.memory_space<semaphore_mem>>) src(%arg10 : memref<32xi32, #tpu.memory_space<vmem>>) dst(%arg6 : memref<32xi32, #tpu.memory_space<hbm>>)
        tpu.yield
      }) : () -> ()
    } else {
    }
    return
  }
}

#map = affine_map<(d0, d1) -> (0)>
module attributes {stable_mosaic.version = 14 : i64} {
  func.func @_s4copy_body(%arg0: i32, %arg1: i32, %arg2: memref<4194304xf32, #tpu.memory_space<hbm>>, %arg3: memref<32xi32, #tpu.memory_space<hbm>>, %arg4: memref<4194304xf32, #tpu.memory_space<hbm>>, %arg5: memref<65536xf32, #tpu.memory_space<vmem>>, %arg6: memref<!tpu.dma_semaphore, #tpu.memory_space<semaphore_mem>>) attributes {dimension_semantics = [#tpu.dimension_semantics<core_parallel>, #tpu.dimension_semantics<subcore_parallel>], iteration_bounds = array<i64: 2, 16>, scalar_prefetch = 0 : i64, scratch_operands = 2 : i64, tpu.core_type = #tpu.core_type<sc_vector_subcore>, window_params = [{transform_indices = #map}, {transform_indices = #map}, {transform_indices = #map}]} {
    %mul3A = arith.constant 2 : i32
    %mul3A_0 = arith.muli %arg1, %mul3A : i32
    %add3A = arith.addi %mul3A_0, %arg0 : i32
    %mul3A_1 = arith.constant 131072 : i32
    %mul3A_2 = arith.muli %add3A, %mul3A_1 : i32
    %add3A_3 = arith.constant 0 : i32
    %add3A_4 = arith.addi %mul3A_2, %add3A_3 : i32
    "tpu.region"() ({
      %run_scoped3A = tpu.sem_alloc : memref<!tpu.dma_semaphore, #tpu.memory_space<semaphore_mem>>
      %dma_start3A = tpu.memref_slice %arg2[%add3A_4] : memref<4194304xf32, #tpu.memory_space<hbm>> -> memref<65536xf32, #tpu.memory_space<hbm>>
      %dma_start3A_7 = tpu.memref_slice %arg2[%add3A_4] : memref<4194304xf32, #tpu.memory_space<hbm>> -> memref<65536xf32, #tpu.memory_space<hbm>>
      tpu.enqueue_dma source(%dma_start3A_7 : memref<65536xf32, #tpu.memory_space<hbm>>) target(%arg5 : memref<65536xf32, #tpu.memory_space<vmem>>) target_semaphore(%run_scoped3A : memref<!tpu.dma_semaphore, #tpu.memory_space<semaphore_mem>>)
      %dma_wait3A = tpu.memref_slice %arg2[%add3A_4] : memref<4194304xf32, #tpu.memory_space<hbm>> -> memref<65536xf32, #tpu.memory_space<hbm>>
      %dma_wait3A_8 = tpu.memref_slice %arg2[%add3A_4] : memref<4194304xf32, #tpu.memory_space<hbm>> -> memref<65536xf32, #tpu.memory_space<hbm>>
      tpu.wait_dma2 semaphore(%run_scoped3A : memref<!tpu.dma_semaphore, #tpu.memory_space<semaphore_mem>>) src(%dma_wait3A_8 : memref<65536xf32, #tpu.memory_space<hbm>>) dst(%arg5 : memref<65536xf32, #tpu.memory_space<vmem>>)
      tpu.yield
    }) : () -> ()
    "tpu.region"() ({
      %run_scoped3A = tpu.sem_alloc : memref<!tpu.dma_semaphore, #tpu.memory_space<semaphore_mem>>
      %dma_start3A = tpu.memref_slice %arg4[%add3A_4] : memref<4194304xf32, #tpu.memory_space<hbm>> -> memref<65536xf32, #tpu.memory_space<hbm>>
      %dma_start3A_7 = tpu.memref_slice %arg4[%add3A_4] : memref<4194304xf32, #tpu.memory_space<hbm>> -> memref<65536xf32, #tpu.memory_space<hbm>>
      tpu.enqueue_dma source(%arg5 : memref<65536xf32, #tpu.memory_space<vmem>>) target(%dma_start3A_7 : memref<65536xf32, #tpu.memory_space<hbm>>) target_semaphore(%run_scoped3A : memref<!tpu.dma_semaphore, #tpu.memory_space<semaphore_mem>>)
      %dma_wait3A = tpu.memref_slice %arg4[%add3A_4] : memref<4194304xf32, #tpu.memory_space<hbm>> -> memref<65536xf32, #tpu.memory_space<hbm>>
      %dma_wait3A_8 = tpu.memref_slice %arg4[%add3A_4] : memref<4194304xf32, #tpu.memory_space<hbm>> -> memref<65536xf32, #tpu.memory_space<hbm>>
      tpu.wait_dma2 semaphore(%run_scoped3A : memref<!tpu.dma_semaphore, #tpu.memory_space<semaphore_mem>>) src(%arg5 : memref<65536xf32, #tpu.memory_space<vmem>>) dst(%dma_wait3A_8 : memref<65536xf32, #tpu.memory_space<hbm>>)
      tpu.yield
    }) : () -> ()
    %add3A_5 = arith.constant 65536 : i32
    %add3A_6 = arith.addi %mul3A_2, %add3A_5 : i32
    "tpu.region"() ({
      %run_scoped3A = tpu.sem_alloc : memref<!tpu.dma_semaphore, #tpu.memory_space<semaphore_mem>>
      %dma_start3A = tpu.memref_slice %arg2[%add3A_6] : memref<4194304xf32, #tpu.memory_space<hbm>> -> memref<65536xf32, #tpu.memory_space<hbm>>
      %dma_start3A_7 = tpu.memref_slice %arg2[%add3A_6] : memref<4194304xf32, #tpu.memory_space<hbm>> -> memref<65536xf32, #tpu.memory_space<hbm>>
      tpu.enqueue_dma source(%dma_start3A_7 : memref<65536xf32, #tpu.memory_space<hbm>>) target(%arg5 : memref<65536xf32, #tpu.memory_space<vmem>>) target_semaphore(%run_scoped3A : memref<!tpu.dma_semaphore, #tpu.memory_space<semaphore_mem>>)
      %dma_wait3A = tpu.memref_slice %arg2[%add3A_6] : memref<4194304xf32, #tpu.memory_space<hbm>> -> memref<65536xf32, #tpu.memory_space<hbm>>
      %dma_wait3A_8 = tpu.memref_slice %arg2[%add3A_6] : memref<4194304xf32, #tpu.memory_space<hbm>> -> memref<65536xf32, #tpu.memory_space<hbm>>
      tpu.wait_dma2 semaphore(%run_scoped3A : memref<!tpu.dma_semaphore, #tpu.memory_space<semaphore_mem>>) src(%dma_wait3A_8 : memref<65536xf32, #tpu.memory_space<hbm>>) dst(%arg5 : memref<65536xf32, #tpu.memory_space<vmem>>)
      tpu.yield
    }) : () -> ()
    "tpu.region"() ({
      %run_scoped3A = tpu.sem_alloc : memref<!tpu.dma_semaphore, #tpu.memory_space<semaphore_mem>>
      %dma_start3A = tpu.memref_slice %arg4[%add3A_6] : memref<4194304xf32, #tpu.memory_space<hbm>> -> memref<65536xf32, #tpu.memory_space<hbm>>
      %dma_start3A_7 = tpu.memref_slice %arg4[%add3A_6] : memref<4194304xf32, #tpu.memory_space<hbm>> -> memref<65536xf32, #tpu.memory_space<hbm>>
      tpu.enqueue_dma source(%arg5 : memref<65536xf32, #tpu.memory_space<vmem>>) target(%dma_start3A_7 : memref<65536xf32, #tpu.memory_space<hbm>>) target_semaphore(%run_scoped3A : memref<!tpu.dma_semaphore, #tpu.memory_space<semaphore_mem>>)
      %dma_wait3A = tpu.memref_slice %arg4[%add3A_6] : memref<4194304xf32, #tpu.memory_space<hbm>> -> memref<65536xf32, #tpu.memory_space<hbm>>
      %dma_wait3A_8 = tpu.memref_slice %arg4[%add3A_6] : memref<4194304xf32, #tpu.memory_space<hbm>> -> memref<65536xf32, #tpu.memory_space<hbm>>
      tpu.wait_dma2 semaphore(%run_scoped3A : memref<!tpu.dma_semaphore, #tpu.memory_space<semaphore_mem>>) src(%arg5 : memref<65536xf32, #tpu.memory_space<vmem>>) dst(%dma_wait3A_8 : memref<65536xf32, #tpu.memory_space<hbm>>)
      tpu.yield
    }) : () -> ()
    return
  }
}

module attributes {stable_mosaic.version = 14 : i64} {
  func.func @_gate_body(%arg0: memref<1024x512xf32, #tpu.memory_space<vmem>>, %arg1: memref<512x512xf32, #tpu.memory_space<vmem>>, %arg2: memref<1x512xf32, #tpu.memory_space<vmem>>, %arg3: memref<512x8xf32, #tpu.memory_space<vmem>>, %arg4: memref<1x8xf32, #tpu.memory_space<vmem>>, %arg5: memref<8x128xi32, #tpu.memory_space<vmem>>, %arg6: memref<1024x1xf32, #tpu.memory_space<vmem>>) attributes {dimension_semantics = [], scalar_prefetch = 0 : i64, scratch_operands = 0 : i64, tpu.core_type = #tpu.core_type<tc>} {
    %get3A = arith.constant 0 : index
    %get3A_0 = arith.constant 0 : index
    %get3A_1 = vector.load %arg0[%get3A, %get3A_0] : memref<1024x512xf32, #tpu.memory_space<vmem>>, vector<1024x512xf32>
    %get3A_2 = arith.constant 0 : index
    %get3A_3 = arith.constant 0 : index
    %get3A_4 = vector.load %arg1[%get3A_2, %get3A_3] : memref<512x512xf32, #tpu.memory_space<vmem>>, vector<512x512xf32>
    %dot_general3A = arith.constant dense<0.000000e+00> : vector<1024x512xf32>
    %dot_general3A_5 = tpu.matmul %get3A_1, %get3A_4, %dot_general3A {dimension_numbers = #tpu.dot_dimension_numbers<[1], [0], [0], [1], [0, 0, 1, 1], [], []>, transpose_lhs_hint = false} : vector<1024x512xf32>, vector<512x512xf32>, vector<1024x512xf32> -> vector<1024x512xf32>
    %get3A_6 = arith.constant 0 : index
    %get3A_7 = arith.constant 0 : index
    %get3A_8 = vector.load %arg2[%get3A_6, %get3A_7] : memref<1x512xf32, #tpu.memory_space<vmem>>, vector<1x512xf32>
    %add3A = vector.broadcast %get3A_8 : vector<1x512xf32> to vector<1024x512xf32>
    %add3A_9 = arith.addf %dot_general3A_5, %add3A : vector<1024x512xf32>
    %integer_pow3A = arith.mulf %add3A_9, %add3A_9 : vector<1024x512xf32>
    %integer_pow3A_10 = arith.mulf %add3A_9, %integer_pow3A : vector<1024x512xf32>
    %mul3A = arith.constant 4.471500e-02 : f32
    %mul3A_11 = vector.broadcast %mul3A : f32 to vector<1024x512xf32>
    %mul3A_12 = arith.mulf %mul3A_11, %integer_pow3A_10 : vector<1024x512xf32>
    %add3A_13 = arith.addf %add3A_9, %mul3A_12 : vector<1024x512xf32>
    %mul3A_14 = arith.constant 0.797884583 : f32
    %mul3A_15 = vector.broadcast %mul3A_14 : f32 to vector<1024x512xf32>
    %mul3A_16 = arith.mulf %mul3A_15, %add3A_13 : vector<1024x512xf32>
    %tanh3A = math.tanh %mul3A_16 : vector<1024x512xf32>
    %add3A_17 = arith.constant 1.000000e+00 : f32
    %add3A_18 = vector.broadcast %add3A_17 : f32 to vector<1024x512xf32>
    %add3A_19 = arith.addf %add3A_18, %tanh3A : vector<1024x512xf32>
    %mul3A_20 = arith.constant 5.000000e-01 : f32
    %mul3A_21 = vector.broadcast %mul3A_20 : f32 to vector<1024x512xf32>
    %mul3A_22 = arith.mulf %mul3A_21, %add3A_19 : vector<1024x512xf32>
    %mul3A_23 = arith.mulf %add3A_9, %mul3A_22 : vector<1024x512xf32>
    %get3A_24 = arith.constant 0 : index
    %get3A_25 = arith.constant 0 : index
    %get3A_26 = vector.load %arg3[%get3A_24, %get3A_25] : memref<512x8xf32, #tpu.memory_space<vmem>>, vector<512x8xf32>
    %broadcast_in_dim3A = arith.constant 0.000000e+00 : f32
    %broadcast_in_dim3A_27 = vector.broadcast %broadcast_in_dim3A : f32 to vector<512x120xf32>
    %concatenate3A = tpu.concatenate %get3A_26, %broadcast_in_dim3A_27 in 1 : vector<512x8xf32>, vector<512x120xf32> -> vector<512x128xf32>
    %dot_general3A_28 = arith.constant dense<0.000000e+00> : vector<1024x128xf32>
    %dot_general3A_29 = tpu.matmul %mul3A_23, %concatenate3A, %dot_general3A_28 {dimension_numbers = #tpu.dot_dimension_numbers<[1], [0], [0], [1], [0, 0, 1, 1], [], []>, transpose_lhs_hint = false} : vector<1024x512xf32>, vector<512x128xf32>, vector<1024x128xf32> -> vector<1024x128xf32>
    %get3A_30 = arith.constant 0 : index
    %get3A_31 = arith.constant 0 : index
    %get3A_32 = vector.load %arg4[%get3A_30, %get3A_31] : memref<1x8xf32, #tpu.memory_space<vmem>>, vector<1x8xf32>
    %broadcast_in_dim3A_33 = arith.constant 0.000000e+00 : f32
    %broadcast_in_dim3A_34 = vector.broadcast %broadcast_in_dim3A_33 : f32 to vector<1x120xf32>
    %concatenate3A_35 = tpu.concatenate %get3A_32, %broadcast_in_dim3A_34 in 1 : vector<1x8xf32>, vector<1x120xf32> -> vector<1x128xf32>
    %add3A_36 = vector.broadcast %concatenate3A_35 : vector<1x128xf32> to vector<1024x128xf32>
    %add3A_37 = arith.addf %dot_general3A_29, %add3A_36 : vector<1024x128xf32>
    %iota3A = tpu.iota {dimensions = array<i32: 1>} : vector<1024x128xi32>
    %lt3A = arith.constant 8 : i32
    %lt3A_38 = vector.broadcast %lt3A : i32 to vector<1024x128xi32>
    %lt3A_39 = arith.cmpi slt, %iota3A, %lt3A_38 : vector<1024x128xi32>
    %jit3A = arith.constant -1.000000e+30 : f32
    %broadcast_in_dim3A_40 = vector.broadcast %jit3A : f32 to vector<1024x128xf32>
    %select_n3A = arith.select %lt3A_39, %add3A_37, %broadcast_in_dim3A_40 : vector<1024x128xi1>, vector<1024x128xf32>
    %reduce_max3A = arith.constant dense<0xFF800000> : vector<1024xf32>
    %reduce_max3A_41 = vector.multi_reduction <maximumf>, %select_n3A, %reduce_max3A [1] : vector<1024x128xf32> to vector<1024xf32>
    %broadcast_in_dim3A_42 = vector.shape_cast %reduce_max3A_41 : vector<1024xf32> to vector<1024x1xf32>
    %sub3A = vector.broadcast %broadcast_in_dim3A_42 : vector<1024x1xf32> to vector<1024x128xf32>
    %sub3A_43 = arith.subf %select_n3A, %sub3A : vector<1024x128xf32>
    %exp3A = math.exp %sub3A_43 : vector<1024x128xf32>
    %reduce_sum3A = arith.constant dense<0.000000e+00> : vector<1024xf32>
    %reduce_sum3A_44 = vector.multi_reduction <add>, %exp3A, %reduce_sum3A [1] : vector<1024x128xf32> to vector<1024xf32>
    %broadcast_in_dim3A_45 = vector.shape_cast %reduce_sum3A_44 : vector<1024xf32> to vector<1024x1xf32>
    %div3A = arith.constant 1.000000e+00 : f32
    %div3A_46 = vector.broadcast %div3A : f32 to vector<1024x1xf32>
    %div3A_47 = arith.divf %div3A_46, %broadcast_in_dim3A_45 : vector<1024x1xf32>
    %swap3A = arith.constant 0 : index
    %swap3A_48 = arith.constant 0 : index
    %swap3A_49 = vector.load %arg6[%swap3A, %swap3A_48] : memref<1024x1xf32, #tpu.memory_space<vmem>>, vector<1024x1xf32>
    tpu.vector_store %arg6[%swap3A, %swap3A_48], %div3A_47 {strides = array<i32>} : memref<1024x1xf32, #tpu.memory_space<vmem>>, vector<1024x1xf32>,
    %eq3A = vector.broadcast %broadcast_in_dim3A_42 : vector<1024x1xf32> to vector<1024x128xf32>
    %eq3A_50 = arith.cmpf oeq, %select_n3A, %eq3A : vector<1024x128xf32>
    %jit3A_51 = arith.constant 128 : i32
    %broadcast_in_dim3A_52 = vector.broadcast %jit3A_51 : i32 to vector<1024x128xi32>
    %select_n3A_53 = arith.select %eq3A_50, %iota3A, %broadcast_in_dim3A_52 : vector<1024x128xi1>, vector<1024x128xi32>
    %reduce_min3A = arith.constant dense<2147483647> : vector<1024xi32>
    %reduce_min3A_54 = vector.multi_reduction <minsi>, %select_n3A_53, %reduce_min3A [1] : vector<1024x128xi32> to vector<1024xi32>
    %broadcast_in_dim3A_55 = vector.shape_cast %reduce_min3A_54 : vector<1024xi32> to vector<1024x1xi32>
    %reshape3A = vector.shape_cast %broadcast_in_dim3A_55 : vector<1024x1xi32> to vector<8x128xi32>
    %swap3A_56 = arith.constant 0 : index
    %swap3A_57 = arith.constant 0 : index
    %swap3A_58 = vector.load %arg5[%swap3A_56, %swap3A_57] : memref<8x128xi32, #tpu.memory_space<vmem>>, vector<8x128xi32>
    tpu.vector_store %arg5[%swap3A_56, %swap3A_57], %reshape3A {strides = array<i32>} : memref<8x128xi32, #tpu.memory_space<vmem>>, vector<8x128xi32>,
    return
  }
}

module attributes {stable_mosaic.version = 14 : i64} {
  func.func @_epilogue_body(%arg0: memref<2048x512xbf16, #tpu.memory_space<vmem>>, %arg1: memref<1x1024xi32, #tpu.memory_space<vmem>>, %arg2: memref<1024x1xf32, #tpu.memory_space<vmem>>, %arg3: memref<1024x512xf32, #tpu.memory_space<vmem>>, %arg4: memref<1024x512xf32, #tpu.memory_space<vmem>>) attributes {dimension_semantics = [], scalar_prefetch = 0 : i64, scratch_operands = 0 : i64, tpu.core_type = #tpu.core_type<tc>} {
    %get3A = arith.constant 0 : index
    %get3A_0 = arith.constant 0 : index
    %get3A_1 = vector.load %arg1[%get3A, %get3A_0] : memref<1x1024xi32, #tpu.memory_space<vmem>>, vector<1x1024xi32>
    %iota3A = tpu.iota {dimensions = array<i32: 0>} : vector<2048x1024xi32>
    %eq3A = vector.broadcast %get3A_1 : vector<1x1024xi32> to vector<2048x1024xi32>
    %eq3A_2 = arith.cmpi eq, %iota3A, %eq3A : vector<2048x1024xi32>
    %convert_element_type3A = arith.extui %eq3A_2 : vector<2048x1024xi1> to vector<2048x1024xi32>
    %convert_element_type3A_3 = arith.sitofp %convert_element_type3A : vector<2048x1024xi32> to vector<2048x1024xf32>
    %convert_element_type3A_4 = arith.truncf %convert_element_type3A_3 : vector<2048x1024xf32> to vector<2048x1024xbf16>
    %get3A_5 = arith.constant 0 : index
    %get3A_6 = arith.constant 0 : index
    %get3A_7 = vector.load %arg0[%get3A_5, %get3A_6] : memref<2048x512xbf16, #tpu.memory_space<vmem>>, vector<2048x512xbf16>
    %dot_general3A = arith.constant dense<0.000000e+00> : vector<1024x512xf32>
    %dot_general3A_8 = tpu.matmul %convert_element_type3A_4, %get3A_7, %dot_general3A {dimension_numbers = #tpu.dot_dimension_numbers<[0], [0], [1], [1], [0, 1, 1, 1], [], []>, transpose_lhs_hint = false} : vector<2048x1024xbf16>, vector<2048x512xbf16>, vector<1024x512xf32> -> vector<1024x512xf32>
    %get3A_9 = arith.constant 0 : index
    %get3A_10 = arith.constant 0 : index
    %get3A_11 = vector.load %arg2[%get3A_9, %get3A_10] : memref<1024x1xf32, #tpu.memory_space<vmem>>, vector<1024x1xf32>
    %mul3A = vector.broadcast %get3A_11 : vector<1024x1xf32> to vector<1024x512xf32>
    %mul3A_12 = arith.mulf %dot_general3A_8, %mul3A : vector<1024x512xf32>
    %get3A_13 = arith.constant 0 : index
    %get3A_14 = arith.constant 0 : index
    %get3A_15 = vector.load %arg3[%get3A_13, %get3A_14] : memref<1024x512xf32, #tpu.memory_space<vmem>>, vector<1024x512xf32>
    %add3A = arith.addf %mul3A_12, %get3A_15 : vector<1024x512xf32>
    %swap3A = arith.constant 0 : index
    %swap3A_16 = arith.constant 0 : index
    %swap3A_17 = vector.load %arg4[%swap3A, %swap3A_16] : memref<1024x512xf32, #tpu.memory_space<vmem>>, vector<1024x512xf32>
    tpu.vector_store %arg4[%swap3A, %swap3A_16], %add3A {strides = array<i32>} : memref<1024x512xf32, #tpu.memory_space<vmem>>, vector<1024x512xf32>,
    return
  }
}

module attributes {stable_mosaic.version = 14 : i64} {
  func.func @_experts_body(%arg0: i32, %arg1: memref<32xi32, #tpu.memory_space<smem>>, %arg2: memref<128x512xf32, #tpu.memory_space<vmem>>, %arg3: memref<1x512x512xf32, #tpu.memory_space<vmem>>, %arg4: memref<8x512xf32, #tpu.memory_space<vmem>>, %arg5: memref<1x512x512xf32, #tpu.memory_space<vmem>>, %arg6: memref<8x512xf32, #tpu.memory_space<vmem>>, %arg7: memref<128x512xbf16, #tpu.memory_space<vmem>>) attributes {dimension_semantics = [#tpu.dimension_semantics<arbitrary>], iteration_bounds = array<i64: 16>, scalar_prefetch = 1 : i64, scratch_operands = 0 : i64, tpu.core_type = #tpu.core_type<tc>, window_params = [{transform_indices = @transform_0, window_bounds = array<i64: 128, 512>}, {transform_indices = @transform_1, window_bounds = array<i64: 1, 512, 512>}, {pipeline_mode = #tpu.pipeline_mode<synchronous>, transform_indices = @transform_2, window_bounds = array<i64: 8, 512>}, {transform_indices = @transform_3, window_bounds = array<i64: 1, 512, 512>}, {pipeline_mode = #tpu.pipeline_mode<synchronous>, transform_indices = @transform_4, window_bounds = array<i64: 8, 512>}, {transform_indices = @transform_5, window_bounds = array<i64: 128, 512>}]} {
    %get3A = arith.constant 8 : index
    %get3A_0 = memref.load %arg1[%get3A] : memref<32xi32, #tpu.memory_space<smem>>
    %lt3A = arith.cmpi slt, %arg0, %get3A_0 : i32
    %convert_element_type3A = arith.extui %lt3A : i1 to i32
    %cond3A = arith.constant 0 : i32
    %cond3A_1 = arith.cmpi ne, %convert_element_type3A, %cond3A : i32
    scf.if %cond3A_1 {
      %get3A_5 = arith.constant 1 : index
      %get3A_6 = memref.load %arg1[%get3A_5] : memref<32xi32, #tpu.memory_space<smem>>
      %ge3A_7 = arith.cmpi sge, %arg0, %get3A_6 : i32
      %jit3A = arith.constant 1 : i32
      %jit3A_8 = arith.constant 0 : i32
      %select_n3A = arith.select %ge3A_7, %jit3A, %jit3A_8 : i32
      %add3A = arith.constant 0 : i32
      %add3A_9 = arith.addi %add3A, %select_n3A : i32
      %get3A_10 = arith.constant 2 : index
      %get3A_11 = memref.load %arg1[%get3A_10] : memref<32xi32, #tpu.memory_space<smem>>
      %ge3A_12 = arith.cmpi sge, %arg0, %get3A_11 : i32
      %jit3A_13 = arith.constant 1 : i32
      %jit3A_14 = arith.constant 0 : i32
      %select_n3A_15 = arith.select %ge3A_12, %jit3A_13, %jit3A_14 : i32
      %add3A_16 = arith.addi %add3A_9, %select_n3A_15 : i32
      %get3A_17 = arith.constant 3 : index
      %get3A_18 = memref.load %arg1[%get3A_17] : memref<32xi32, #tpu.memory_space<smem>>
      %ge3A_19 = arith.cmpi sge, %arg0, %get3A_18 : i32
      %jit3A_20 = arith.constant 1 : i32
      %jit3A_21 = arith.constant 0 : i32
      %select_n3A_22 = arith.select %ge3A_19, %jit3A_20, %jit3A_21 : i32
      %add3A_23 = arith.addi %add3A_16, %select_n3A_22 : i32
      %get3A_24 = arith.constant 4 : index
      %get3A_25 = memref.load %arg1[%get3A_24] : memref<32xi32, #tpu.memory_space<smem>>
      %ge3A_26 = arith.cmpi sge, %arg0, %get3A_25 : i32
      %jit3A_27 = arith.constant 1 : i32
      %jit3A_28 = arith.constant 0 : i32
      %select_n3A_29 = arith.select %ge3A_26, %jit3A_27, %jit3A_28 : i32
      %add3A_30 = arith.addi %add3A_23, %select_n3A_29 : i32
      %get3A_31 = arith.constant 5 : index
      %get3A_32 = memref.load %arg1[%get3A_31] : memref<32xi32, #tpu.memory_space<smem>>
      %ge3A_33 = arith.cmpi sge, %arg0, %get3A_32 : i32
      %jit3A_34 = arith.constant 1 : i32
      %jit3A_35 = arith.constant 0 : i32
      %select_n3A_36 = arith.select %ge3A_33, %jit3A_34, %jit3A_35 : i32
      %add3A_37 = arith.addi %add3A_30, %select_n3A_36 : i32
      %get3A_38 = arith.constant 6 : index
      %get3A_39 = memref.load %arg1[%get3A_38] : memref<32xi32, #tpu.memory_space<smem>>
      %ge3A_40 = arith.cmpi sge, %arg0, %get3A_39 : i32
      %jit3A_41 = arith.constant 1 : i32
      %jit3A_42 = arith.constant 0 : i32
      %select_n3A_43 = arith.select %ge3A_40, %jit3A_41, %jit3A_42 : i32
      %add3A_44 = arith.addi %add3A_37, %select_n3A_43 : i32
      %get3A_45 = arith.constant 7 : index
      %get3A_46 = memref.load %arg1[%get3A_45] : memref<32xi32, #tpu.memory_space<smem>>
      %ge3A_47 = arith.cmpi sge, %arg0, %get3A_46 : i32
      %jit3A_48 = arith.constant 1 : i32
      %jit3A_49 = arith.constant 0 : i32
      %select_n3A_50 = arith.select %ge3A_47, %jit3A_48, %jit3A_49 : i32
      %add3A_51 = arith.addi %add3A_44, %select_n3A_50 : i32
      %get3A_52 = arith.constant 0 : index
      %get3A_53 = arith.constant 0 : index
      %get3A_54 = vector.load %arg2[%get3A_52, %get3A_53] : memref<128x512xf32, #tpu.memory_space<vmem>>, vector<128x512xf32>
      %convert_element_type3A_55 = arith.truncf %get3A_54 : vector<128x512xf32> to vector<128x512xbf16>
      %get3A_56 = arith.constant 0 : index
      %get3A_57 = arith.constant 0 : index
      %get3A_58 = arith.constant 0 : index
      %get3A_59 = vector.load %arg3[%get3A_56, %get3A_57, %get3A_58] : memref<1x512x512xf32, #tpu.memory_space<vmem>>, vector<1x512x512xf32>
      %get3A_60 = vector.shape_cast %get3A_59 : vector<1x512x512xf32> to vector<512x512xf32>
      %convert_element_type3A_61 = arith.truncf %get3A_60 : vector<512x512xf32> to vector<512x512xbf16>
      %dot_general3A = arith.constant dense<0.000000e+00> : vector<128x512xf32>
      %dot_general3A_62 = tpu.matmul %convert_element_type3A_55, %convert_element_type3A_61, %dot_general3A {dimension_numbers = #tpu.dot_dimension_numbers<[1], [0], [0], [1], [0, 0, 1, 1], [], []>, transpose_lhs_hint = false} : vector<128x512xbf16>, vector<512x512xbf16>, vector<128x512xf32> -> vector<128x512xf32>
      %get3A_63 = arith.index_cast %add3A_51 : i32 to index
      %get3A_64 = arith.constant 0 : index
      %get3A_65 = vector.load %arg4[%get3A_63, %get3A_64] : memref<8x512xf32, #tpu.memory_space<vmem>>, vector<1x512xf32>
      %add3A_66 = vector.broadcast %get3A_65 : vector<1x512xf32> to vector<128x512xf32>
      %add3A_67 = arith.addf %dot_general3A_62, %add3A_66 : vector<128x512xf32>
      %integer_pow3A = arith.mulf %add3A_67, %add3A_67 : vector<128x512xf32>
      %integer_pow3A_68 = arith.mulf %add3A_67, %integer_pow3A : vector<128x512xf32>
      %mul3A = arith.constant 4.471500e-02 : f32
      %mul3A_69 = vector.broadcast %mul3A : f32 to vector<128x512xf32>
      %mul3A_70 = arith.mulf %mul3A_69, %integer_pow3A_68 : vector<128x512xf32>
      %add3A_71 = arith.addf %add3A_67, %mul3A_70 : vector<128x512xf32>
      %mul3A_72 = arith.constant 0.797884583 : f32
      %mul3A_73 = vector.broadcast %mul3A_72 : f32 to vector<128x512xf32>
      %mul3A_74 = arith.mulf %mul3A_73, %add3A_71 : vector<128x512xf32>
      %tanh3A = math.tanh %mul3A_74 : vector<128x512xf32>
      %add3A_75 = arith.constant 1.000000e+00 : f32
      %add3A_76 = vector.broadcast %add3A_75 : f32 to vector<128x512xf32>
      %add3A_77 = arith.addf %add3A_76, %tanh3A : vector<128x512xf32>
      %mul3A_78 = arith.constant 5.000000e-01 : f32
      %mul3A_79 = vector.broadcast %mul3A_78 : f32 to vector<128x512xf32>
      %mul3A_80 = arith.mulf %mul3A_79, %add3A_77 : vector<128x512xf32>
      %mul3A_81 = arith.mulf %add3A_67, %mul3A_80 : vector<128x512xf32>
      %convert_element_type3A_82 = arith.truncf %mul3A_81 : vector<128x512xf32> to vector<128x512xbf16>
      %get3A_83 = arith.constant 0 : index
      %get3A_84 = arith.constant 0 : index
      %get3A_85 = arith.constant 0 : index
      %get3A_86 = vector.load %arg5[%get3A_83, %get3A_84, %get3A_85] : memref<1x512x512xf32, #tpu.memory_space<vmem>>, vector<1x512x512xf32>
      %get3A_87 = vector.shape_cast %get3A_86 : vector<1x512x512xf32> to vector<512x512xf32>
      %convert_element_type3A_88 = arith.truncf %get3A_87 : vector<512x512xf32> to vector<512x512xbf16>
      %dot_general3A_89 = arith.constant dense<0.000000e+00> : vector<128x512xf32>
      %dot_general3A_90 = tpu.matmul %convert_element_type3A_82, %convert_element_type3A_88, %dot_general3A_89 {dimension_numbers = #tpu.dot_dimension_numbers<[1], [0], [0], [1], [0, 0, 1, 1], [], []>, transpose_lhs_hint = false} : vector<128x512xbf16>, vector<512x512xbf16>, vector<128x512xf32> -> vector<128x512xf32>
      %get3A_91 = arith.index_cast %add3A_51 : i32 to index
      %get3A_92 = arith.constant 0 : index
      %get3A_93 = vector.load %arg6[%get3A_91, %get3A_92] : memref<8x512xf32, #tpu.memory_space<vmem>>, vector<1x512xf32>
      %add3A_94 = vector.broadcast %get3A_93 : vector<1x512xf32> to vector<128x512xf32>
      %add3A_95 = arith.addf %dot_general3A_90, %add3A_94 : vector<128x512xf32>
      %iota3A = tpu.iota {dimensions = array<i32: 0>} : vector<128x1xi32>
      %eq3A = arith.constant 0 : i32
      %eq3A_96 = arith.cmpi eq, %add3A_51, %eq3A : i32
      %get3A_97 = arith.constant 0 : index
      %get3A_98 = memref.load %arg1[%get3A_97] : memref<32xi32, #tpu.memory_space<smem>>
      %jit3A_99 = arith.constant 0 : i32
      %select_n3A_100 = arith.select %eq3A_96, %get3A_98, %jit3A_99 : i32
      %add3A_101 = arith.constant 0 : i32
      %add3A_102 = arith.addi %add3A_101, %select_n3A_100 : i32
      %eq3A_103 = arith.constant 1 : i32
      %eq3A_104 = arith.cmpi eq, %add3A_51, %eq3A_103 : i32
      %get3A_105 = arith.constant 1 : index
      %get3A_106 = memref.load %arg1[%get3A_105] : memref<32xi32, #tpu.memory_space<smem>>
      %jit3A_107 = arith.constant 0 : i32
      %select_n3A_108 = arith.select %eq3A_104, %get3A_106, %jit3A_107 : i32
      %add3A_109 = arith.addi %add3A_102, %select_n3A_108 : i32
      %eq3A_110 = arith.constant 2 : i32
      %eq3A_111 = arith.cmpi eq, %add3A_51, %eq3A_110 : i32
      %get3A_112 = arith.constant 2 : index
      %get3A_113 = memref.load %arg1[%get3A_112] : memref<32xi32, #tpu.memory_space<smem>>
      %jit3A_114 = arith.constant 0 : i32
      %select_n3A_115 = arith.select %eq3A_111, %get3A_113, %jit3A_114 : i32
      %add3A_116 = arith.addi %add3A_109, %select_n3A_115 : i32
      %eq3A_117 = arith.constant 3 : i32
      %eq3A_118 = arith.cmpi eq, %add3A_51, %eq3A_117 : i32
      %get3A_119 = arith.constant 3 : index
      %get3A_120 = memref.load %arg1[%get3A_119] : memref<32xi32, #tpu.memory_space<smem>>
      %jit3A_121 = arith.constant 0 : i32
      %select_n3A_122 = arith.select %eq3A_118, %get3A_120, %jit3A_121 : i32
      %add3A_123 = arith.addi %add3A_116, %select_n3A_122 : i32
      %eq3A_124 = arith.constant 4 : i32
      %eq3A_125 = arith.cmpi eq, %add3A_51, %eq3A_124 : i32
      %get3A_126 = arith.constant 4 : index
      %get3A_127 = memref.load %arg1[%get3A_126] : memref<32xi32, #tpu.memory_space<smem>>
      %jit3A_128 = arith.constant 0 : i32
      %select_n3A_129 = arith.select %eq3A_125, %get3A_127, %jit3A_128 : i32
      %add3A_130 = arith.addi %add3A_123, %select_n3A_129 : i32
      %eq3A_131 = arith.constant 5 : i32
      %eq3A_132 = arith.cmpi eq, %add3A_51, %eq3A_131 : i32
      %get3A_133 = arith.constant 5 : index
      %get3A_134 = memref.load %arg1[%get3A_133] : memref<32xi32, #tpu.memory_space<smem>>
      %jit3A_135 = arith.constant 0 : i32
      %select_n3A_136 = arith.select %eq3A_132, %get3A_134, %jit3A_135 : i32
      %add3A_137 = arith.addi %add3A_130, %select_n3A_136 : i32
      %eq3A_138 = arith.constant 6 : i32
      %eq3A_139 = arith.cmpi eq, %add3A_51, %eq3A_138 : i32
      %get3A_140 = arith.constant 6 : index
      %get3A_141 = memref.load %arg1[%get3A_140] : memref<32xi32, #tpu.memory_space<smem>>
      %jit3A_142 = arith.constant 0 : i32
      %select_n3A_143 = arith.select %eq3A_139, %get3A_141, %jit3A_142 : i32
      %add3A_144 = arith.addi %add3A_137, %select_n3A_143 : i32
      %eq3A_145 = arith.constant 7 : i32
      %eq3A_146 = arith.cmpi eq, %add3A_51, %eq3A_145 : i32
      %get3A_147 = arith.constant 7 : index
      %get3A_148 = memref.load %arg1[%get3A_147] : memref<32xi32, #tpu.memory_space<smem>>
      %jit3A_149 = arith.constant 0 : i32
      %select_n3A_150 = arith.select %eq3A_146, %get3A_148, %jit3A_149 : i32
      %add3A_151 = arith.addi %add3A_144, %select_n3A_150 : i32
      %sub3A = arith.subi %arg0, %add3A_151 : i32
      %mul3A_152 = arith.constant 128 : i32
      %mul3A_153 = arith.muli %sub3A, %mul3A_152 : i32
      %add3A_154 = vector.broadcast %mul3A_153 : i32 to vector<128x1xi32>
      %add3A_155 = arith.addi %iota3A, %add3A_154 : vector<128x1xi32>
      %eq3A_156 = arith.constant 0 : i32
      %eq3A_157 = arith.cmpi eq, %add3A_51, %eq3A_156 : i32
      %get3A_158 = arith.constant 16 : index
      %get3A_159 = memref.load %arg1[%get3A_158] : memref<32xi32, #tpu.memory_space<smem>>
      %jit3A_160 = arith.constant 0 : i32
      %select_n3A_161 = arith.select %eq3A_157, %get3A_159, %jit3A_160 : i32
      %add3A_162 = arith.constant 0 : i32
      %add3A_163 = arith.addi %add3A_162, %select_n3A_161 : i32
      %eq3A_164 = arith.constant 1 : i32
      %eq3A_165 = arith.cmpi eq, %add3A_51, %eq3A_164 : i32
      %get3A_166 = arith.constant 17 : index
      %get3A_167 = memref.load %arg1[%get3A_166] : memref<32xi32, #tpu.memory_space<smem>>
      %jit3A_168 = arith.constant 0 : i32
      %select_n3A_169 = arith.select %eq3A_165, %get3A_167, %jit3A_168 : i32
      %add3A_170 = arith.addi %add3A_163, %select_n3A_169 : i32
      %eq3A_171 = arith.constant 2 : i32
      %eq3A_172 = arith.cmpi eq, %add3A_51, %eq3A_171 : i32
      %get3A_173 = arith.constant 18 : index
      %get3A_174 = memref.load %arg1[%get3A_173] : memref<32xi32, #tpu.memory_space<smem>>
      %jit3A_175 = arith.constant 0 : i32
      %select_n3A_176 = arith.select %eq3A_172, %get3A_174, %jit3A_175 : i32
      %add3A_177 = arith.addi %add3A_170, %select_n3A_176 : i32
      %eq3A_178 = arith.constant 3 : i32
      %eq3A_179 = arith.cmpi eq, %add3A_51, %eq3A_178 : i32
      %get3A_180 = arith.constant 19 : index
      %get3A_181 = memref.load %arg1[%get3A_180] : memref<32xi32, #tpu.memory_space<smem>>
      %jit3A_182 = arith.constant 0 : i32
      %select_n3A_183 = arith.select %eq3A_179, %get3A_181, %jit3A_182 : i32
      %add3A_184 = arith.addi %add3A_177, %select_n3A_183 : i32
      %eq3A_185 = arith.constant 4 : i32
      %eq3A_186 = arith.cmpi eq, %add3A_51, %eq3A_185 : i32
      %get3A_187 = arith.constant 20 : index
      %get3A_188 = memref.load %arg1[%get3A_187] : memref<32xi32, #tpu.memory_space<smem>>
      %jit3A_189 = arith.constant 0 : i32
      %select_n3A_190 = arith.select %eq3A_186, %get3A_188, %jit3A_189 : i32
      %add3A_191 = arith.addi %add3A_184, %select_n3A_190 : i32
      %eq3A_192 = arith.constant 5 : i32
      %eq3A_193 = arith.cmpi eq, %add3A_51, %eq3A_192 : i32
      %get3A_194 = arith.constant 21 : index
      %get3A_195 = memref.load %arg1[%get3A_194] : memref<32xi32, #tpu.memory_space<smem>>
      %jit3A_196 = arith.constant 0 : i32
      %select_n3A_197 = arith.select %eq3A_193, %get3A_195, %jit3A_196 : i32
      %add3A_198 = arith.addi %add3A_191, %select_n3A_197 : i32
      %eq3A_199 = arith.constant 6 : i32
      %eq3A_200 = arith.cmpi eq, %add3A_51, %eq3A_199 : i32
      %get3A_201 = arith.constant 22 : index
      %get3A_202 = memref.load %arg1[%get3A_201] : memref<32xi32, #tpu.memory_space<smem>>
      %jit3A_203 = arith.constant 0 : i32
      %select_n3A_204 = arith.select %eq3A_200, %get3A_202, %jit3A_203 : i32
      %add3A_205 = arith.addi %add3A_198, %select_n3A_204 : i32
      %eq3A_206 = arith.constant 7 : i32
      %eq3A_207 = arith.cmpi eq, %add3A_51, %eq3A_206 : i32
      %get3A_208 = arith.constant 23 : index
      %get3A_209 = memref.load %arg1[%get3A_208] : memref<32xi32, #tpu.memory_space<smem>>
      %jit3A_210 = arith.constant 0 : i32
      %select_n3A_211 = arith.select %eq3A_207, %get3A_209, %jit3A_210 : i32
      %add3A_212 = arith.addi %add3A_205, %select_n3A_211 : i32
      %lt3A_213 = vector.broadcast %add3A_212 : i32 to vector<128x1xi32>
      %lt3A_214 = arith.cmpi slt, %add3A_155, %lt3A_213 : vector<128x1xi32>
      %jit3A_215 = arith.constant 0.000000e+00 : f32
      %broadcast_in_dim3A = vector.shape_cast %lt3A_214 : vector<128x1xi1> to vector<128x1xi1>
      %broadcast_in_dim3A_216 = vector.broadcast %broadcast_in_dim3A : vector<128x1xi1> to vector<128x512xi1>
      %broadcast_in_dim3A_217 = vector.broadcast %jit3A_215 : f32 to vector<128x512xf32>
      %select_n3A_218 = arith.select %broadcast_in_dim3A_216, %add3A_95, %broadcast_in_dim3A_217 : vector<128x512xi1>, vector<128x512xf32>
      %convert_element_type3A_219 = arith.truncf %select_n3A_218 : vector<128x512xf32> to vector<128x512xbf16>
      %swap3A = arith.constant 0 : index
      %swap3A_220 = arith.constant 0 : index
      %swap3A_221 = vector.load %arg7[%swap3A, %swap3A_220] : memref<128x512xbf16, #tpu.memory_space<vmem>>, vector<128x512xbf16>
      tpu.vector_store %arg7[%swap3A, %swap3A_220], %convert_element_type3A_219 {strides = array<i32>} : memref<128x512xbf16, #tpu.memory_space<vmem>>, vector<128x512xbf16>,
    } else {
    }
    %ge3A = arith.cmpi sge, %arg0, %get3A_0 : i32
    %convert_element_type3A_2 = arith.extui %ge3A : i1 to i32
    %cond3A_3 = arith.constant 0 : i32
    %cond3A_4 = arith.cmpi ne, %convert_element_type3A_2, %cond3A_3 : i32
    scf.if %cond3A_4 {
      %broadcast_in_dim3A = arith.constant 0.000000e+00 : bf16
      %broadcast_in_dim3A_5 = vector.broadcast %broadcast_in_dim3A : bf16 to vector<128x512xbf16>
      %swap3A = arith.constant 0 : index
      %swap3A_6 = arith.constant 0 : index
      %swap3A_7 = vector.load %arg7[%swap3A, %swap3A_6] : memref<128x512xbf16, #tpu.memory_space<vmem>>, vector<128x512xbf16>
      tpu.vector_store %arg7[%swap3A, %swap3A_6], %broadcast_in_dim3A_5 {strides = array<i32>} : memref<128x512xbf16, #tpu.memory_space<vmem>>, vector<128x512xbf16>,
    } else {
    }
    return
  }
  func.func @transform_0(%arg0: i32, %arg1: memref<32xi32, #tpu.memory_space<smem>>) -> (i32, i32) {
    %c0_i32 = arith.constant 0 : i32
    %c0_i32_0 = arith.constant 0 : i32
    return %arg0, %c0_i32 : i32, i32
  }
  func.func @transform_1(%arg0: i32, %arg1: memref<32xi32, #tpu.memory_space<smem>>) -> (i32, i32, i32) {
    %get3A = arith.constant 1 : index
    %get3A_0 = memref.load %arg1[%get3A] : memref<32xi32, #tpu.memory_space<smem>>
    %ge3A = arith.cmpi sge, %arg0, %get3A_0 : i32
    %jit3A = arith.constant 1 : i32
    %jit3A_1 = arith.constant 0 : i32
    %select_n3A = arith.select %ge3A, %jit3A, %jit3A_1 : i32
    %add3A = arith.constant 0 : i32
    %add3A_2 = arith.addi %add3A, %select_n3A : i32
    %get3A_3 = arith.constant 2 : index
    %get3A_4 = memref.load %arg1[%get3A_3] : memref<32xi32, #tpu.memory_space<smem>>
    %ge3A_5 = arith.cmpi sge, %arg0, %get3A_4 : i32
    %jit3A_6 = arith.constant 1 : i32
    %jit3A_7 = arith.constant 0 : i32
    %select_n3A_8 = arith.select %ge3A_5, %jit3A_6, %jit3A_7 : i32
    %add3A_9 = arith.addi %add3A_2, %select_n3A_8 : i32
    %get3A_10 = arith.constant 3 : index
    %get3A_11 = memref.load %arg1[%get3A_10] : memref<32xi32, #tpu.memory_space<smem>>
    %ge3A_12 = arith.cmpi sge, %arg0, %get3A_11 : i32
    %jit3A_13 = arith.constant 1 : i32
    %jit3A_14 = arith.constant 0 : i32
    %select_n3A_15 = arith.select %ge3A_12, %jit3A_13, %jit3A_14 : i32
    %add3A_16 = arith.addi %add3A_9, %select_n3A_15 : i32
    %get3A_17 = arith.constant 4 : index
    %get3A_18 = memref.load %arg1[%get3A_17] : memref<32xi32, #tpu.memory_space<smem>>
    %ge3A_19 = arith.cmpi sge, %arg0, %get3A_18 : i32
    %jit3A_20 = arith.constant 1 : i32
    %jit3A_21 = arith.constant 0 : i32
    %select_n3A_22 = arith.select %ge3A_19, %jit3A_20, %jit3A_21 : i32
    %add3A_23 = arith.addi %add3A_16, %select_n3A_22 : i32
    %get3A_24 = arith.constant 5 : index
    %get3A_25 = memref.load %arg1[%get3A_24] : memref<32xi32, #tpu.memory_space<smem>>
    %ge3A_26 = arith.cmpi sge, %arg0, %get3A_25 : i32
    %jit3A_27 = arith.constant 1 : i32
    %jit3A_28 = arith.constant 0 : i32
    %select_n3A_29 = arith.select %ge3A_26, %jit3A_27, %jit3A_28 : i32
    %add3A_30 = arith.addi %add3A_23, %select_n3A_29 : i32
    %get3A_31 = arith.constant 6 : index
    %get3A_32 = memref.load %arg1[%get3A_31] : memref<32xi32, #tpu.memory_space<smem>>
    %ge3A_33 = arith.cmpi sge, %arg0, %get3A_32 : i32
    %jit3A_34 = arith.constant 1 : i32
    %jit3A_35 = arith.constant 0 : i32
    %select_n3A_36 = arith.select %ge3A_33, %jit3A_34, %jit3A_35 : i32
    %add3A_37 = arith.addi %add3A_30, %select_n3A_36 : i32
    %get3A_38 = arith.constant 7 : index
    %get3A_39 = memref.load %arg1[%get3A_38] : memref<32xi32, #tpu.memory_space<smem>>
    %ge3A_40 = arith.cmpi sge, %arg0, %get3A_39 : i32
    %jit3A_41 = arith.constant 1 : i32
    %jit3A_42 = arith.constant 0 : i32
    %select_n3A_43 = arith.select %ge3A_40, %jit3A_41, %jit3A_42 : i32
    %add3A_44 = arith.addi %add3A_37, %select_n3A_43 : i32
    %c0_i32 = arith.constant 0 : i32
    %c0_i32_45 = arith.constant 0 : i32
    %c0_i32_46 = arith.constant 0 : i32
    return %add3A_44, %c0_i32, %c0_i32_45 : i32, i32, i32
  }
  func.func @transform_2(%arg0: i32, %arg1: memref<32xi32, #tpu.memory_space<smem>>) -> (i32, i32) {
    %c0_i32 = arith.constant 0 : i32
    %c0_i32_0 = arith.constant 0 : i32
    %c0_i32_1 = arith.constant 0 : i32
    return %c0_i32, %c0_i32_0 : i32, i32
  }
  func.func @transform_3(%arg0: i32, %arg1: memref<32xi32, #tpu.memory_space<smem>>) -> (i32, i32, i32) {
    %get3A = arith.constant 1 : index
    %get3A_0 = memref.load %arg1[%get3A] : memref<32xi32, #tpu.memory_space<smem>>
    %ge3A = arith.cmpi sge, %arg0, %get3A_0 : i32
    %jit3A = arith.constant 1 : i32
    %jit3A_1 = arith.constant 0 : i32
    %select_n3A = arith.select %ge3A, %jit3A, %jit3A_1 : i32
    %add3A = arith.constant 0 : i32
    %add3A_2 = arith.addi %add3A, %select_n3A : i32
    %get3A_3 = arith.constant 2 : index
    %get3A_4 = memref.load %arg1[%get3A_3] : memref<32xi32, #tpu.memory_space<smem>>
    %ge3A_5 = arith.cmpi sge, %arg0, %get3A_4 : i32
    %jit3A_6 = arith.constant 1 : i32
    %jit3A_7 = arith.constant 0 : i32
    %select_n3A_8 = arith.select %ge3A_5, %jit3A_6, %jit3A_7 : i32
    %add3A_9 = arith.addi %add3A_2, %select_n3A_8 : i32
    %get3A_10 = arith.constant 3 : index
    %get3A_11 = memref.load %arg1[%get3A_10] : memref<32xi32, #tpu.memory_space<smem>>
    %ge3A_12 = arith.cmpi sge, %arg0, %get3A_11 : i32
    %jit3A_13 = arith.constant 1 : i32
    %jit3A_14 = arith.constant 0 : i32
    %select_n3A_15 = arith.select %ge3A_12, %jit3A_13, %jit3A_14 : i32
    %add3A_16 = arith.addi %add3A_9, %select_n3A_15 : i32
    %get3A_17 = arith.constant 4 : index
    %get3A_18 = memref.load %arg1[%get3A_17] : memref<32xi32, #tpu.memory_space<smem>>
    %ge3A_19 = arith.cmpi sge, %arg0, %get3A_18 : i32
    %jit3A_20 = arith.constant 1 : i32
    %jit3A_21 = arith.constant 0 : i32
    %select_n3A_22 = arith.select %ge3A_19, %jit3A_20, %jit3A_21 : i32
    %add3A_23 = arith.addi %add3A_16, %select_n3A_22 : i32
    %get3A_24 = arith.constant 5 : index
    %get3A_25 = memref.load %arg1[%get3A_24] : memref<32xi32, #tpu.memory_space<smem>>
    %ge3A_26 = arith.cmpi sge, %arg0, %get3A_25 : i32
    %jit3A_27 = arith.constant 1 : i32
    %jit3A_28 = arith.constant 0 : i32
    %select_n3A_29 = arith.select %ge3A_26, %jit3A_27, %jit3A_28 : i32
    %add3A_30 = arith.addi %add3A_23, %select_n3A_29 : i32
    %get3A_31 = arith.constant 6 : index
    %get3A_32 = memref.load %arg1[%get3A_31] : memref<32xi32, #tpu.memory_space<smem>>
    %ge3A_33 = arith.cmpi sge, %arg0, %get3A_32 : i32
    %jit3A_34 = arith.constant 1 : i32
    %jit3A_35 = arith.constant 0 : i32
    %select_n3A_36 = arith.select %ge3A_33, %jit3A_34, %jit3A_35 : i32
    %add3A_37 = arith.addi %add3A_30, %select_n3A_36 : i32
    %get3A_38 = arith.constant 7 : index
    %get3A_39 = memref.load %arg1[%get3A_38] : memref<32xi32, #tpu.memory_space<smem>>
    %ge3A_40 = arith.cmpi sge, %arg0, %get3A_39 : i32
    %jit3A_41 = arith.constant 1 : i32
    %jit3A_42 = arith.constant 0 : i32
    %select_n3A_43 = arith.select %ge3A_40, %jit3A_41, %jit3A_42 : i32
    %add3A_44 = arith.addi %add3A_37, %select_n3A_43 : i32
    %c0_i32 = arith.constant 0 : i32
    %c0_i32_45 = arith.constant 0 : i32
    %c0_i32_46 = arith.constant 0 : i32
    return %add3A_44, %c0_i32, %c0_i32_45 : i32, i32, i32
  }
  func.func @transform_4(%arg0: i32, %arg1: memref<32xi32, #tpu.memory_space<smem>>) -> (i32, i32) {
    %c0_i32 = arith.constant 0 : i32
    %c0_i32_0 = arith.constant 0 : i32
    %c0_i32_1 = arith.constant 0 : i32
    return %c0_i32, %c0_i32_0 : i32, i32
  }
  func.func @transform_5(%arg0: i32, %arg1: memref<32xi32, #tpu.memory_space<smem>>) -> (i32, i32) {
    %c0_i32 = arith.constant 0 : i32
    %c0_i32_0 = arith.constant 0 : i32
    return %arg0, %c0_i32 : i32, i32
  }
}

</mosaic_0001>

<sc_bundles>
// kernel: kernel.10.cloned.1.call-start
scs
__scs_entry_jumppad:
0x0: {  	(pc) =	sbr.rel $0x88, $3  }
0x1: {  	(tag) =	ssettag $0x0;
	lr =	simm.s32 $0x1  }
0x2: {  	[smem:$0x3F95] =	sst lr;
	_ =	strace $0xD0000000  }
0x3: {  	_ = 	snop  }
0x4: {  	_ = 	snop  }
0x5: {  	_ = 	snop  }
0x6: {  	_ = 	snop  }
0x7: {  	_ = 	snop  }
__scs_overlays_trampoline_lowered:
0x8: {  	[smem:$0x3FA4] =	sst s0  }
0x9: {  	[smem:$0x3FA5] =	sst s1  }
0xa: {  	[smem:$0x3FA6] =	sst s2  }
0xb: {  	[smem:$0x3FA7] =	sst s3  }
0xc: {  	[smem:$0x3FA8] =	sst s4  }
0xd: {  	[smem:$0x3FA9] =	sst s5  }
0xe: {  	[smem:$0x3FAA] =	sst s6  }
0xf: {  	[smem:$0x3FAB] =	sst s7  }
0x10: {  	[smem:$0x3FAC] =	sst s8  }
0x11: {  	[smem:$0x3FAD] =	sst s9;
	s0 =	simm.s32 @!p0 $0x0  }
0x12: {  	s1 =	sld [smem:$0x3F93];
	s0 =	simm.s32 @p0 $0x1  }
0x13: {  	[smem:$0x3FAE] =	sst s0;
	s0 =	simm.s32 @!p1 $0x0  }
0x14: {  	s2 =	sld [smem:$0x3F92];
	s0 =	simm.s32 @p1 $0x1  }
0x15: {  	[smem:$0x3FAF] =	sst s0;
	s0 =	simm.s32 @!p2 $0x0  }
0x16: {  	s3 =	sld [smem:$0x3FDB];
	s0 =	simm.s32 @p2 $0x1  }
0x17: {  	s4 =	simm.s32 $0x1BF5;
	[smem:$0x3FB1] =	sst s0  }
0x18: {  	s0 =	sld [smem:$0x3F94];
	_ =	swait.ge [sflag:s4], $0x0  }
0x19: {  	s7 =	sld [smem:$0x3F95]  }
0x1a: {  	s8 =	sadd.s32 $0xFFFFE003, lr  }
0x1b: {  	s9 =	sadd.s32 $0xFFFFFEF7, lr;
	s5 =	simm.s32 $0xFFFFFFFF;
	p2 =	slt.u32 s8, $0xFFFFF086  }
0x1c: {  	p1 =	slt.u32 s9, $0xF7A;
	s5 =	simm.s32 @!p2 $0x0  }
0x1d: {  	s5 =	simm.s32 @p1 $0x1;
	p0 =	seq.s32 s7, s2  }
0x1e: {  	s7 =	smul.u32 @!p0 $0xF7A, s2;
	p2 =	seq.s32 @!p0 s5, $0x0  }
0x1f: {  	s9 =	smul.u32 $0xF7A, s1;
	s8 =	simm.s32 @!p0 $0x1BF5;
	p2 =	por !p2, p0  }
0x20: {  	[sflag:s8] =	ssyncset.s32 @!p0 $0xFFFFF086;
	s6 =	sadd.s32 @!p0 s3, s7;
	s7 =	simm.s32 @!p0 $0x108  }
0x21: {  	s3 =	sadd.s32 s3, s9;
	s6 =	sadd.s32 @!p0 $0x88, s6;
	s7 =	simm.s32 @p2 $0x1082  }
0x22: {  	[simem:s7], [sflag:s8] =	dma.local @!p0 [hbm:s6], $0xF7A  }
0x23: {  	s9 =	sor.u32 $0xD0000000, s2;
	s6 =	simm.s32 $0x108;
	_ =	swait.ge @!p0 [sflag:s8], $0x0  }
0x24: {  	s3 =	sadd.s32 $0x88, s3;
	s6 =	simm.s32 @!p1 $0x1082;
	[sflag:s4] =	ssyncset.s32 $0xFFFFF086  }
0x25: {  	[simem:s6], [sflag:s4] =	dma.local [hbm:s3], $0xF7A  }
0x26: {  	[smem:$0x3F95] =	sst s1;
	(tag) =	ssettag s2;
	_ =	strace s9  }
0x27: {  	s1 =	sld [smem:$0x3FA5]  }
0x28: {  	s2 =	sld [smem:$0x3FA6]  }
0x29: {  	s4 =	sld [smem:$0x3FA8]  }
0x2a: {  	p0 =	seq.s32 s5, $0x0;
	s5 =	sld [smem:$0x3FA9]  }
0x2b: {  	s6 =	sld [smem:$0x3FAA]  }
0x2c: {  	s7 =	sld [smem:$0x3FAB]  }
0x2d: {  	s3 =	simm.s32 $0x108;
	s8 =	sld [smem:$0x3FAC]  }
0x2e: {  	s3 =	simm.s32 @!p0 $0x1082;
	s9 =	sld [smem:$0x3FAD]  }
0x2f: {  	lr =	sadd.s32 s0, s3;
	s0 =	sld [smem:$0x3FA4]  }
0x30: {  	s3 =	sld [smem:$0x3FA7]  }
0x31: {  	[smem:$0x3FB0] =	sst s10  }
0x32: {  	s10 =	sld [smem:$0x3FAE];
	_ =	sdelay $0x3  }
0x33: {  	p0 =	seq.s32 s10, $0x1;
	s10 =	sld [smem:$0x3FB0];
	_ =	sdelay $0x3  }
0x34: {  	[smem:$0x3FB0] =	sst s10  }
0x35: {  	s10 =	sld [smem:$0x3FAF];
	_ =	sdelay $0x3  }
0x36: {  	p1 =	seq.s32 s10, $0x1;
	s10 =	sld [smem:$0x3FB0];
	_ =	sdelay $0x3  }
0x37: {  	[smem:$0x3FB0] =	sst s10  }
0x38: {  	s10 =	sld [smem:$0x3FB1]  }
0x39: {  	_ = 	snop;
	(pc) =	sbr.ind lr, $3  }
0x3a: {  	_ = 	snop  }
0x3b: {  	_ = 	snop  }
0x3c: {  	p2 =	seq.s32 s10, $0x1;
	s10 =	sld [smem:$0x3FB0]  }
0x3d: {  	_ =	shalt  }
0x3e: {  	_ =	shalt  }
0x3f: {  	_ =	shalt  }
0x40: {  	_ =	shalt  }
0x41: {  	_ =	shalt  }
0x42: {  	_ =	shalt  }
0x43: {  	_ =	shalt  }
0x44: {  	_ =	shalt  }
0x45: {  	_ =	shalt  }
0x46: {  	_ =	shalt  }
0x47: {  	_ =	shalt  }
0x48: {  	_ =	shalt  }
0x49: {  	_ =	shalt  }
0x4a: {  	_ =	shalt  }
0x4b: {  	_ =	shalt  }
0x4c: {  	_ =	shalt  }
0x4d: {  	_ =	shalt  }
0x4e: {  	_ =	shalt  }
0x4f: {  	_ =	shalt  }
0x50: {  	_ =	shalt  }
0x51: {  	_ =	shalt  }
0x52: {  	_ =	shalt  }
0x53: {  	_ =	shalt  }
0x54: {  	_ =	shalt  }
0x55: {  	_ =	shalt  }
0x56: {  	_ =	shalt  }
0x57: {  	_ =	shalt  }
0x58: {  	_ =	shalt  }
0x59: {  	_ =	shalt  }
0x5a: {  	_ =	shalt  }
0x5b: {  	_ =	shalt  }
0x5c: {  	_ =	shalt  }
0x5d: {  	_ =	shalt  }
0x5e: {  	_ =	shalt  }
0x5f: {  	_ =	shalt  }
0x60: {  	_ =	shalt  }
0x61: {  	_ =	shalt  }
0x62: {  	_ =	shalt  }
0x63: {  	_ =	shalt  }
0x64: {  	_ =	shalt  }
0x65: {  	_ =	shalt  }
0x66: {  	_ =	shalt  }
0x67: {  	_ =	shalt  }
0x68: {  	_ =	shalt  }
0x69: {  	_ =	shalt  }
0x6a: {  	_ =	shalt  }
0x6b: {  	_ =	shalt  }
0x6c: {  	_ =	shalt  }
0x6d: {  	_ =	shalt  }
0x6e: {  	_ =	shalt  }
0x6f: {  	_ =	shalt  }
0x70: {  	_ =	shalt  }
0x71: {  	_ =	shalt  }
0x72: {  	_ =	shalt  }
0x73: {  	_ =	shalt  }
0x74: {  	_ =	shalt  }
0x75: {  	_ =	shalt  }
0x76: {  	_ =	shalt  }
0x77: {  	_ =	shalt  }
0x78: {  	_ =	shalt  }
0x79: {  	_ =	shalt  }
0x7a: {  	_ =	shalt  }
0x7b: {  	_ =	shalt  }
0x7c: {  	_ =	shalt  }
0x7d: {  	_ =	shalt  }
0x7e: {  	_ =	shalt  }
0x7f: {  	_ =	shalt  }
0x80: {  	_ =	shalt  }
0x81: {  	_ =	shalt  }
0x82: {  	_ =	shalt  }
0x83: {  	_ =	shalt  }
0x84: {  	_ =	shalt  }
0x85: {  	_ =	shalt  }
0x86: {  	_ =	shalt  }
0x87: {  	_ =	shalt  }
.Lfunc_end0:
.L_simem_size_0:
called_computation.1_lowered:
.L_overlay_start_0:
0x88: {  	s2 =	sld [smem:$0x3FD9]  }
0x89: {  	s3 =	sld [smem:$0x3FFE];
	_ =	sdelay $0x1  }
0x8a: {  	s1 =	srdreg.scid  }
0x8b: {  	s0 =	sand.u32 $0x1, s1  }
0x8c: {  	s15 =	sshll.u32 s0, $0xA;
	s2 =	sadd.s32 s3, s2  }
0x8d: {  	s2 =	sadd.s32 s2, s15  }
0x8e: {  	[smem:$0x3FBC] =	sst s2  }
0x8f: {  	_ = 	snop  }
0x90: {  	s2 =	sld [smem:$0x3FD0];
	_ =	sdelay $0x2  }
0x91: {  	s4 =	simm.s32 $0xA;
	s5 =	simm.s32 $0x10;
	s16 =	sld [smem:$0x3FC9]  }
0x92: {  	[smem:s5], [sflag:s4] =	dma.local [hbm:s2], $0x1  }
0x93: {  	_ =	swait.eq [sflag:s4], $0x1  }
0x94: {  	[sflag:s4] =	ssyncset.done $0x0  }
0x95: {  	[sflag:s4] =	ssyncadd.s32 $0xFFFFFFFF  }
0x96: {  	s17 =	sld [smem:$0x10];
	(tm) =	ssettm $0x1  }
0x97: {  	s18 =	sld [smem:$0x3FFB];
	_ =	sdelay $0x3  }
0x98: {  	_ =	strace s18  }
0x99: {  	s4 =	sld [smem:$0x3FFC];
	_ =	sdelay $0x3  }
0x9a: {  	_ =	strace s4  }
0x9b: {  	s4 =	sld [smem:$0x3FFD];
	_ =	sdelay $0x3  }
0x9c: {  	_ =	strace s4  }
0x9d: {  	_ =	strace $0x8FFFFFFF  }
0x9e: {  	s19 =	sld [smem:$0x3FDB];
	_ =	sdelay $0x1  }
0x9f: {  	s20 =	simm.s32 $_scs_section_size  }
0xa0: {  	s6 =	simm.s32 $_size__tile_overlayer_lowered;
	s7 =	simm.s32 $_tile_overlayer_lowered  }
0xa1: {  	s23 =	simm.s32 $0x1BFF;
	s22 =	sshll.u32 s7, $0x1;
	s4 =	sadd.s32 s20, s19  }
0xa2: {  	s8 =	simm.s32 $0x0;
	s21 =	sshll.u32 s6, $0x1;
	s6 =	sadd.s32 s22, s4  }
0xa3: {  	[timem:s8], [sflag:s23] =	dma.local [hbm:s6], s21  }
0xa4: {  	_ =	swait.ge [sflag:s23], s21  }
0xa5: {  	s5 =	ssub.s32 $0x0, s21;
	[sflag:s23] =	ssyncset.done $0x0  }
0xa6: {  	[sflag:s23] =	ssyncadd.s32 s5;
	_ =	sdelay $0x1  }
0xa7: {  	s24 =	simm.s32 $0x1B8B  }
0xa8: {  	_ =	swait.ge [sflag:s24], $0x1  }
0xa9: {  	[sflag:s24] =	ssyncset.done $0x0  }
0xaa: {  	s25 =	simm.s32 $0x1B8E;
	[sflag:s24] =	ssyncadd.s32 $0xFFFFFFFF  }
0xab: {  	s26 =	simm.s32 $execute0_lowered;
	[smem:$0x3FD2] =	sst s25  }
0xac: {  	s5 =	sshll.u32 s26, $0x1;
	_ =	strace $0x80000049;
	[dreg:$0x1] =	wrdreg $0xFFFFFFFF  }
0xad: {  	s28 =	simm.s32 $_size_execute0_lowered;
	s4 =	sadd.s32 s4, s5;
	[dreg:$0x0] =	wrdreg $0x0  }
0xae: {  	s5 =	sshll.u32 s28, $0x1;
	[dreg:$0x2] =	wrdreg s4  }
0xaf: {  	[dreg:$0x3] =	wrdreg s5  }
0xb0: {  	[dreg:$0x4] =	wrdreg $0xC0  }
0xb1: {  	_ =	task [dreg:s8], $0x5FFFF  }
0xb2: {  	[dreg:$0x1] =	wrdreg $0xFFFFFFFF  }
0xb3: {  	[dreg:$0x0] =	wrdreg $0x60  }
0xb4: {  	[dreg:$0x2] =	wrdreg s16  }
0xb5: {  	[dreg:$0x3] =	wrdreg s17  }
0xb6: {  	[dreg:$0x4] =	wrdreg $0x9  }
0xb7: {  	_ =	task.clear_ibuf [dreg:s8], $0x5FFFF;
	_ =	strace $0x90000049  }
0xb8: {  	s29 =	simm.s32 $0x9;
	_ =	strace $0x8000004B  }
0xb9: {  	_ =	swait.ge [sflag:s29], $0x1  }
0xba: {  	[sflag:s29] =	ssyncadd.s32 $0xFFFFFFFF  }
0xbb: {  	_ =	strace $0x9000004B  }
0xbc: {  	_ =	sfence  }
0xbd: {  	s30 =	sld [smem:$0x0];
	_ =	sdelay $0x2  }
0xbe: {  	s31 =	sshll.u32 s1, $0xD;
	s1 =	sshrl.u32 s1, $0x2  }
0xbf: {  	s3 =	sand.u32 $0x4000, s31;
	s1 =	sadd.s32 s1, s30  }
0xc0: {  	s0 =	sor.u32 s3, s0;
	s1 =	sshll.u32 s1, $0x11  }
0xc1: {  	s0 =	sor.u32 s1, s0  }
0xc2: {  	s0 =	sadd.s32 $0x8F2B, s0  }
0xc3: {  	[sflag:s0] =	ssyncadd.remote.s32 $0x1  }
0xc4: {  	_ =	sfence.sel $0xFFFF  }
0xc5: {  	[dreg:$0x0] =	wrdreg $0xFFFFFFFF;
	(pc) =	sbr.abs _section_cstart, $3  }
0xc6: {  	[dreg:$0x1] =	wrdreg $0xFFFFFFFF  }
0xc7: {  	_ =	task.clear_ibuf [dreg:s8], $0x2FFFF;
	_ =	strace $0x9FFFFFFF  }
0xc8: {  	(tm) =	ssettm $0x7FFFFFFF  }
0xc9: {  	_ =	shalt  }
tec
execute0_lowered:
.L_overlay_start_1:
0x0: {  	(tag) =	ssettag $0x1  }
0x1: {  	s6 =	rddreg [dreg:$0x0]  }
0x2: {  	s7 =	rddreg [dreg:$0x1];
	s2 =	srdreg.scid  }
0x3: {  	s0 =	rddreg [dreg:$0x2];
	s1 =	stileid.u32;
	s8 =	sand.u32 $0x1, s2  }
0x4: {  	s2 =	simm.s32 $0x0;
	s3 =	sshll.u32 s1, $0xF;
	s4 =	sshll.u32 s8, $0xE  }
0x5: {  	[smem:$0x7FF] =	sst s2;
	s9 =	sor.u32 s4, s3  }
0x6: {  	_ =	strace $0x8000004A;
	s3 =	simm.s32 $0x1;
	s4 =	sadd.s32 s6, s9  }
0x7: {  	[tilespmem:s2], [sflag:$0x1] =	stream.linear.gather [hbm4b:s4+s2], $0x10000, $0x38;
	[tilespmem:$0x10000] =	vst v63  }
0x8: {  	_ =	swait.ge [sflag:s3], $0x10000  }
0x9: {  	[sflag:s3] =	ssyncset.done $0x0  }
0xa: {  	s8 =	ssub.s32 $0x2, s8;
	s5 =	sadd.s32 s7, s9;
	[sflag:s3] =	ssyncadd.s32 $0xFFFF0000  }
0xb: {  	[hbm4b:s5+s2] =	stream.linear.scatter [tilespmem:s2], [sflag:$0x1], $0x10000, $0x38;
	[tilespmem:$0x10000] =	vst v63  }
0xc: {  	s10 =	sshrl.u32 s8, $0x1;
	_ =	swait.ge [sflag:s3], $0x10000  }
0xd: {  	s9 =	sor.u32 $0x2000, s9;
	s8 =	ssub.s32 s8, s10;
	[sflag:s3] =	ssyncset.done $0x0  }
0xe: {  	s6 =	sadd.s32 s6, s9;
	s8 =	smax.u32 s8, $0x1;
	[sflag:s3] =	ssyncadd.s32 $0xFFFF0000  }
0xf: {  	[tilespmem:s2], [sflag:$0x1] =	stream.linear.gather [hbm4b:s6+s2], $0x10000, $0x38;
	[tilespmem:$0x10000] =	vst v63  }
0x10: {  	p0 =	sne.s32 s8, $0x1;
	_ =	swait.ge [sflag:s3], $0x10000  }
.Ltmp0:
0x11: {  	[sflag:s3] =	ssyncset.done $0x0;
	(pc) =	sbr.rel @!p0 .LBB2_2-.Ltmp0, $4  }
0x12: {  	s7 =	sadd.s32 s7, s9;
	[sflag:s3] =	ssyncadd.s32 $0xFFFF0000  }
0x13: {  	[hbm4b:s7+s2] =	stream.linear.scatter [tilespmem:s2], [sflag:$0x1], $0x10000, $0x38;
	[tilespmem:$0x10000] =	vst v63  }
0x14: {  	_ =	swait.ge [sflag:s3], $0x10000  }
0x15: {  	s8 =	sadd.s32 $0xFFFFFFFF, s8;
	[sflag:s3] =	ssyncset.done $0x0  }
.LBB2_1:
0x16: {  	p0 =	sne.s32 s8, $0x1;
	s8 =	sadd.s32 $0xFFFFFFFF, s8;
	[sflag:s3] =	ssyncadd.s32 $0xFFFF0000  }
0x17: {  	[tilespmem:s2], [sflag:$0x1] =	stream.linear.gather [hbm4b:s4+s2], $0x10000, $0x38;
	[tilespmem:$0x10000] =	vst v63  }
0x18: {  	_ =	swait.ge [sflag:s3], $0x10000  }
0x19: {  	[sflag:s3] =	ssyncset.done $0x0  }
0x1a: {  	[sflag:s3] =	ssyncadd.s32 $0xFFFF0000  }
0x1b: {  	[hbm4b:s5+s2] =	stream.linear.scatter [tilespmem:s2], [sflag:$0x1], $0x10000, $0x38;
	[tilespmem:$0x10000] =	vst v63  }
0x1c: {  	_ =	swait.ge [sflag:s3], $0x10000  }
0x1d: {  	[sflag:s3] =	ssyncset.done $0x0  }
0x1e: {  	[sflag:s3] =	ssyncadd.s32 $0xFFFF0000  }
0x1f: {  	[tilespmem:s2], [sflag:$0x1] =	stream.linear.gather [hbm4b:s6+s2], $0x10000, $0x38;
	[tilespmem:$0x10000] =	vst v63  }
0x20: {  	_ =	swait.ge [sflag:s3], $0x10000  }
.Ltmp1:
0x21: {  	[sflag:s3] =	ssyncset.done $0x0;
	(pc) =	sbr.rel @p0 .LBB2_1-.Ltmp1, $4  }
0x22: {  	[sflag:s3] =	ssyncadd.s32 $0xFFFF0000  }
0x23: {  	[hbm4b:s7+s2] =	stream.linear.scatter [tilespmem:s2], [sflag:$0x1], $0x10000, $0x38;
	[tilespmem:$0x10000] =	vst v63  }
0x24: {  	_ =	swait.ge [sflag:s3], $0x10000  }
0x25: {  	[sflag:s3] =	ssyncset.done $0x0  }
.LBB2_2:
0x26: {  	[sflag:s3] =	ssyncadd.s32 $0xFFFF0000  }
0x27: {  	_ =	sfence.sel $0x180000  }
0x28: {  	[bflag:$0x0] =	sbarrier.arrive $0xFFFF  }
0x29: {  	p0 =	sne.s32 s1, $0x0;
	_ =	strace $0x9000004A  }
0x2a: {  	s0 =	sadd.s32 @!p0 $0x100000, s0;
	[bflag:$0x2] =	sbarrier.arrive $0xFFFF  }
0x2b: {  	[sflag:s0] =	ssyncadd.tile.s32 @!p0 $0x1;
	_ =	shalt  }
.Lfunc_end2:
_tile_overlayer_lowered:
.L_overlay_start_2:
0x2c: {  	(tag) =	ssettag $0x2  }
0x2d: {  	s0 =	rddreg [dreg:$0x0];
	s2 =	stileid.u32  }
0x2e: {  	s1 =	rddreg [dreg:$0x1];
	p0 =	sne.s32 s2, $0x0  }
0x2f: {  	s3 =	rddreg [dreg:$0x2];
	[bflag:$0x3] =	sbarrier.arrive $0xFFFF;
	s2 =	simm.s32 @!p0 $0x1C01  }
0x30: {  	[timem:s3], [sflag:s2] =	dma.local @!p0 [hbm:s0], s1  }
0x31: {  	s0 =	simm.s32 @!p0 $0x1  }
0x32: {  	_ =	swait.ge @!p0 [sflag:s0], s1  }
0x33: {  	s1 =	ssub.s32 @!p0 $0x0, s1;
	[sflag:s0] =	ssyncset.done @!p0 $0x0  }
0x34: {  	[sflag:s0] =	ssyncadd.s32 @!p0 s1  }
0x35: {  	[bflag:$0x3] =	sbarrier.arrive $0xFFFF  }
0x36: {  	_ =	shalt  }

// kernel: kernel.7.cloned.1.call-start
scs
__scs_entry_jumppad:
0x0: {  	(pc) =	sbr.rel $0x88, $3  }
0x1: {  	(tag) =	ssettag $0x0;
	lr =	simm.s32 $0x1  }
0x2: {  	[smem:$0x3F95] =	sst lr;
	_ =	strace $0xD0000000  }
0x3: {  	_ = 	snop  }
0x4: {  	_ = 	snop  }
0x5: {  	_ = 	snop  }
0x6: {  	_ = 	snop  }
0x7: {  	_ = 	snop  }
__scs_overlays_trampoline_lowered:
0x8: {  	[smem:$0x3FA4] =	sst s0  }
0x9: {  	[smem:$0x3FA5] =	sst s1  }
0xa: {  	[smem:$0x3FA6] =	sst s2  }
0xb: {  	[smem:$0x3FA7] =	sst s3  }
0xc: {  	[smem:$0x3FA8] =	sst s4  }
0xd: {  	[smem:$0x3FA9] =	sst s5  }
0xe: {  	[smem:$0x3FAA] =	sst s6  }
0xf: {  	[smem:$0x3FAB] =	sst s7  }
0x10: {  	[smem:$0x3FAC] =	sst s8  }
0x11: {  	[smem:$0x3FAD] =	sst s9;
	s0 =	simm.s32 @!p0 $0x0  }
0x12: {  	s1 =	sld [smem:$0x3F93];
	s0 =	simm.s32 @p0 $0x1  }
0x13: {  	[smem:$0x3FAE] =	sst s0;
	s0 =	simm.s32 @!p1 $0x0  }
0x14: {  	s2 =	sld [smem:$0x3F92];
	s0 =	simm.s32 @p1 $0x1  }
0x15: {  	[smem:$0x3FAF] =	sst s0;
	s0 =	simm.s32 @!p2 $0x0  }
0x16: {  	s3 =	sld [smem:$0x3FDB];
	s0 =	simm.s32 @p2 $0x1  }
0x17: {  	s4 =	simm.s32 $0x1BF5;
	[smem:$0x3FB1] =	sst s0  }
0x18: {  	s0 =	sld [smem:$0x3F94];
	_ =	swait.ge [sflag:s4], $0x0  }
0x19: {  	s7 =	sld [smem:$0x3F95]  }
0x1a: {  	s8 =	sadd.s32 $0xFFFFE003, lr  }
0x1b: {  	s9 =	sadd.s32 $0xFFFFFEF7, lr;
	s5 =	simm.s32 $0xFFFFFFFF;
	p2 =	slt.u32 s8, $0xFFFFF086  }
0x1c: {  	p1 =	slt.u32 s9, $0xF7A;
	s5 =	simm.s32 @!p2 $0x0  }
0x1d: {  	s5 =	simm.s32 @p1 $0x1;
	p0 =	seq.s32 s7, s2  }
0x1e: {  	s7 =	smul.u32 @!p0 $0xF7A, s2;
	p2 =	seq.s32 @!p0 s5, $0x0  }
0x1f: {  	s9 =	smul.u32 $0xF7A, s1;
	s8 =	simm.s32 @!p0 $0x1BF5;
	p2 =	por !p2, p0  }
0x20: {  	[sflag:s8] =	ssyncset.s32 @!p0 $0xFFFFF086;
	s6 =	sadd.s32 @!p0 s3, s7;
	s7 =	simm.s32 @!p0 $0x108  }
0x21: {  	s3 =	sadd.s32 s3, s9;
	s6 =	sadd.s32 @!p0 $0x88, s6;
	s7 =	simm.s32 @p2 $0x1082  }
0x22: {  	[simem:s7], [sflag:s8] =	dma.local @!p0 [hbm:s6], $0xF7A  }
0x23: {  	s9 =	sor.u32 $0xD0000000, s2;
	s6 =	simm.s32 $0x108;
	_ =	swait.ge @!p0 [sflag:s8], $0x0  }
0x24: {  	s3 =	sadd.s32 $0x88, s3;
	s6 =	simm.s32 @!p1 $0x1082;
	[sflag:s4] =	ssyncset.s32 $0xFFFFF086  }
0x25: {  	[simem:s6], [sflag:s4] =	dma.local [hbm:s3], $0xF7A  }
0x26: {  	[smem:$0x3F95] =	sst s1;
	(tag) =	ssettag s2;
	_ =	strace s9  }
0x27: {  	s1 =	sld [smem:$0x3FA5]  }
0x28: {  	s2 =	sld [smem:$0x3FA6]  }
0x29: {  	s4 =	sld [smem:$0x3FA8]  }
0x2a: {  	p0 =	seq.s32 s5, $0x0;
	s5 =	sld [smem:$0x3FA9]  }
0x2b: {  	s6 =	sld [smem:$0x3FAA]  }
0x2c: {  	s7 =	sld [smem:$0x3FAB]  }
0x2d: {  	s3 =	simm.s32 $0x108;
	s8 =	sld [smem:$0x3FAC]  }
0x2e: {  	s3 =	simm.s32 @!p0 $0x1082;
	s9 =	sld [smem:$0x3FAD]  }
0x2f: {  	lr =	sadd.s32 s0, s3;
	s0 =	sld [smem:$0x3FA4]  }
0x30: {  	s3 =	sld [smem:$0x3FA7]  }
0x31: {  	[smem:$0x3FB0] =	sst s10  }
0x32: {  	s10 =	sld [smem:$0x3FAE];
	_ =	sdelay $0x3  }
0x33: {  	p0 =	seq.s32 s10, $0x1;
	s10 =	sld [smem:$0x3FB0];
	_ =	sdelay $0x3  }
0x34: {  	[smem:$0x3FB0] =	sst s10  }
0x35: {  	s10 =	sld [smem:$0x3FAF];
	_ =	sdelay $0x3  }
0x36: {  	p1 =	seq.s32 s10, $0x1;
	s10 =	sld [smem:$0x3FB0];
	_ =	sdelay $0x3  }
0x37: {  	[smem:$0x3FB0] =	sst s10  }
0x38: {  	s10 =	sld [smem:$0x3FB1]  }
0x39: {  	_ = 	snop;
	(pc) =	sbr.ind lr, $3  }
0x3a: {  	_ = 	snop  }
0x3b: {  	_ = 	snop  }
0x3c: {  	p2 =	seq.s32 s10, $0x1;
	s10 =	sld [smem:$0x3FB0]  }
0x3d: {  	_ =	shalt  }
0x3e: {  	_ =	shalt  }
0x3f: {  	_ =	shalt  }
0x40: {  	_ =	shalt  }
0x41: {  	_ =	shalt  }
0x42: {  	_ =	shalt  }
0x43: {  	_ =	shalt  }
0x44: {  	_ =	shalt  }
0x45: {  	_ =	shalt  }
0x46: {  	_ =	shalt  }
0x47: {  	_ =	shalt  }
0x48: {  	_ =	shalt  }
0x49: {  	_ =	shalt  }
0x4a: {  	_ =	shalt  }
0x4b: {  	_ =	shalt  }
0x4c: {  	_ =	shalt  }
0x4d: {  	_ =	shalt  }
0x4e: {  	_ =	shalt  }
0x4f: {  	_ =	shalt  }
0x50: {  	_ =	shalt  }
0x51: {  	_ =	shalt  }
0x52: {  	_ =	shalt  }
0x53: {  	_ =	shalt  }
0x54: {  	_ =	shalt  }
0x55: {  	_ =	shalt  }
0x56: {  	_ =	shalt  }
0x57: {  	_ =	shalt  }
0x58: {  	_ =	shalt  }
0x59: {  	_ =	shalt  }
0x5a: {  	_ =	shalt  }
0x5b: {  	_ =	shalt  }
0x5c: {  	_ =	shalt  }
0x5d: {  	_ =	shalt  }
0x5e: {  	_ =	shalt  }
0x5f: {  	_ =	shalt  }
0x60: {  	_ =	shalt  }
0x61: {  	_ =	shalt  }
0x62: {  	_ =	shalt  }
0x63: {  	_ =	shalt  }
0x64: {  	_ =	shalt  }
0x65: {  	_ =	shalt  }
0x66: {  	_ =	shalt  }
0x67: {  	_ =	shalt  }
0x68: {  	_ =	shalt  }
0x69: {  	_ =	shalt  }
0x6a: {  	_ =	shalt  }
0x6b: {  	_ =	shalt  }
0x6c: {  	_ =	shalt  }
0x6d: {  	_ =	shalt  }
0x6e: {  	_ =	shalt  }
0x6f: {  	_ =	shalt  }
0x70: {  	_ =	shalt  }
0x71: {  	_ =	shalt  }
0x72: {  	_ =	shalt  }
0x73: {  	_ =	shalt  }
0x74: {  	_ =	shalt  }
0x75: {  	_ =	shalt  }
0x76: {  	_ =	shalt  }
0x77: {  	_ =	shalt  }
0x78: {  	_ =	shalt  }
0x79: {  	_ =	shalt  }
0x7a: {  	_ =	shalt  }
0x7b: {  	_ =	shalt  }
0x7c: {  	_ =	shalt  }
0x7d: {  	_ =	shalt  }
0x7e: {  	_ =	shalt  }
0x7f: {  	_ =	shalt  }
0x80: {  	_ =	shalt  }
0x81: {  	_ =	shalt  }
0x82: {  	_ =	shalt  }
0x83: {  	_ =	shalt  }
0x84: {  	_ =	shalt  }
0x85: {  	_ =	shalt  }
0x86: {  	_ =	shalt  }
0x87: {  	_ =	shalt  }
.Lfunc_end0:
.L_simem_size_0:
called_computation_lowered:
.L_overlay_start_0:
0x88: {  	s2 =	sld [smem:$0x3FD9]  }
0x89: {  	s3 =	sld [smem:$0x3FFE];
	_ =	sdelay $0x1  }
0x8a: {  	s1 =	srdreg.scid  }
0x8b: {  	s0 =	sand.u32 $0x1, s1  }
0x8c: {  	s14 =	sshll.u32 s0, $0xA;
	s2 =	sadd.s32 s3, s2  }
0x8d: {  	s2 =	sadd.s32 s2, s14  }
0x8e: {  	[smem:$0x3FBC] =	sst s2  }
0x8f: {  	_ = 	snop  }
0x90: {  	s2 =	sld [smem:$0x3FD0];
	_ =	sdelay $0x2  }
0x91: {  	s4 =	simm.s32 $0xA;
	s5 =	simm.s32 $0x10;
	s15 =	sld [smem:$0x3FC6]  }
0x92: {  	[smem:s5], [sflag:s4] =	dma.local [hbm:s2], $0x1  }
0x93: {  	_ =	swait.eq [sflag:s4], $0x1  }
0x94: {  	s16 =	sld [smem:$0x11];
	[sflag:s4] =	ssyncset.done $0x0  }
0x95: {  	s17 =	sld [smem:$0x12];
	[sflag:s4] =	ssyncadd.s32 $0xFFFFFFFF  }
0x96: {  	s18 =	sld [smem:$0x13];
	(tm) =	ssettm $0x1  }
0x97: {  	s6 =	sld [smem:$0x3FFB];
	_ =	sdelay $0x3  }
0x98: {  	_ =	strace s6  }
0x99: {  	s6 =	sld [smem:$0x3FFC];
	_ =	sdelay $0x3  }
0x9a: {  	_ =	strace s6  }
0x9b: {  	s6 =	sld [smem:$0x3FFD];
	_ =	sdelay $0x3  }
0x9c: {  	_ =	strace s6  }
0x9d: {  	_ =	strace $0x8FFFFFFF  }
0x9e: {  	s19 =	sld [smem:$0x3FDB];
	_ =	sdelay $0x1  }
0x9f: {  	s7 =	simm.s32 $_scs_section_size  }
0xa0: {  	s8 =	simm.s32 $_size__tile_overlayer_lowered;
	s9 =	simm.s32 $_tile_overlayer_lowered  }
0xa1: {  	s22 =	simm.s32 $0x1BFF;
	s21 =	sshll.u32 s9, $0x1;
	s6 =	sadd.s32 s7, s19  }
0xa2: {  	s10 =	simm.s32 $0x0;
	s20 =	sshll.u32 s8, $0x1;
	s8 =	sadd.s32 s21, s6  }
0xa3: {  	[timem:s10], [sflag:s22] =	dma.local [hbm:s8], s20  }
0xa4: {  	_ =	swait.ge [sflag:s22], s20  }
0xa5: {  	s7 =	ssub.s32 $0x0, s20;
	[sflag:s22] =	ssyncset.done $0x0  }
0xa6: {  	[sflag:s22] =	ssyncadd.s32 s7;
	_ =	sdelay $0x1  }
0xa7: {  	s23 =	simm.s32 $0x1B8B  }
0xa8: {  	_ =	swait.ge [sflag:s23], $0x1  }
0xa9: {  	[sflag:s23] =	ssyncset.done $0x0  }
0xaa: {  	s25 =	simm.s32 $0x1B8E;
	s24 =	sld [smem:$0x3FFE];
	[sflag:s23] =	ssyncadd.s32 $0xFFFFFFFF  }
0xab: {  	s26 =	simm.s32 $execute0_lowered;
	[smem:$0x3FD2] =	sst s25  }
0xac: {  	s8 =	sshll.u32 s26, $0x1;
	_ =	strace $0x80000046;
	[dreg:$0x1] =	wrdreg $0xFFFFFFFF  }
0xad: {  	s28 =	simm.s32 $_size_execute0_lowered;
	s6 =	sadd.s32 s6, s8;
	[dreg:$0x0] =	wrdreg $0x0  }
0xae: {  	s8 =	sshll.u32 s28, $0x1;
	[dreg:$0x2] =	wrdreg s6  }
0xaf: {  	[dreg:$0x3] =	wrdreg s8  }
0xb0: {  	[dreg:$0x4] =	wrdreg $0xC0  }
0xb1: {  	_ =	task [dreg:s10], $0x5FFFF  }
0xb2: {  	[dreg:$0x1] =	wrdreg $0xFFFFFFFF  }
0xb3: {  	[dreg:$0x0] =	wrdreg $0x60  }
0xb4: {  	[dreg:$0x2] =	wrdreg s18  }
0xb5: {  	[dreg:$0x3] =	wrdreg s15  }
0xb6: {  	[dreg:$0x4] =	wrdreg s17  }
0xb7: {  	[dreg:$0x5] =	wrdreg s16  }
0xb8: {  	[dreg:$0x6] =	wrdreg s24  }
0xb9: {  	[dreg:$0x7] =	wrdreg $0x9  }
0xba: {  	_ =	task.clear_ibuf [dreg:s10], $0x8FFFF;
	_ =	strace $0x90000046  }
0xbb: {  	s29 =	simm.s32 $0x9;
	_ =	strace $0x80000048  }
0xbc: {  	_ =	swait.ge [sflag:s29], $0x1  }
0xbd: {  	[sflag:s29] =	ssyncadd.s32 $0xFFFFFFFF  }
0xbe: {  	_ =	strace $0x90000048  }
0xbf: {  	_ =	sfence  }
0xc0: {  	s30 =	sld [smem:$0x0];
	_ =	sdelay $0x2  }
0xc1: {  	s31 =	sshll.u32 s1, $0xD;
	s1 =	sshrl.u32 s1, $0x2  }
0xc2: {  	s3 =	sand.u32 $0x4000, s31;
	s1 =	sadd.s32 s1, s30  }
0xc3: {  	s0 =	sor.u32 s3, s0;
	s1 =	sshll.u32 s1, $0x11  }
0xc4: {  	s0 =	sor.u32 s1, s0  }
0xc5: {  	s0 =	sadd.s32 $0x8F2B, s0  }
0xc6: {  	[sflag:s0] =	ssyncadd.remote.s32 $0x1  }
0xc7: {  	_ =	sfence.sel $0xFFFF  }
0xc8: {  	[dreg:$0x0] =	wrdreg $0xFFFFFFFF;
	(pc) =	sbr.abs _section_cstart, $3  }
0xc9: {  	[dreg:$0x1] =	wrdreg $0xFFFFFFFF  }
0xca: {  	_ =	task.clear_ibuf [dreg:s10], $0x2FFFF;
	_ =	strace $0x9FFFFFFF  }
0xcb: {  	(tm) =	ssettm $0x7FFFFFFF  }
tec
execute0_lowered:
.L_overlay_start_1:
0x0: {  	(tag) =	ssettag $0x1  }
0x1: {  	s1 =	rddreg [dreg:$0x0]  }
0x2: {  	s9 =	rddreg [dreg:$0x1]  }
0x3: {  	s2 =	rddreg [dreg:$0x2]  }
0x4: {  	s8 =	rddreg [dreg:$0x3]  }
0x5: {  	s5 =	rddreg [dreg:$0x4];
	s4 =	srdreg.scid  }
0x6: {  	s0 =	rddreg [dreg:$0x5];
	s3 =	simm.s32 $0x0;
	v0 =	vimm.s32 $0x0;
	vm1 =	vcmask $0x300;
	v6 =	vimm.s32 $0xEDCBA987;
	s13 =	simm.s32 $0x1  }
0x7: {  	vm0 =	vmmov $0xffff;
	vm2 =	vcmask $0xB08;
	v7 =	vimm.s32 $0x65432100;
	s15 =	simm.s32 $0x480;
	s16 =	simm.s32 $0xC80;
	s17 =	simm.s32 $0x1480  }
0x8: {  	v12 =	vlaneseq.u32;
	s18 =	simm.s32 $0x1C80;
	s19 =	simm.s32 $0x2480;
	s20 =	simm.s32 $0x2C80;
	v1 =	vsel vm1, $0xFFFFFFFF, v0;
	vm1 =	vcmask $0x704  }
0x9: {  	s21 =	simm.s32 $0x3480;
	s22 =	simm.s32 $0x3C80;
	s23 =	simm.s32 $0x0;
	v3 =	vsel vm2, $0xFFFFFFFF, v0;
	v8 =	vunpack.c.l.s4.s8 v6;
	vm2 =	vcmask $0x1B18  }
0xa: {  	s6 =	sand.u32 $0x1, s4;
	[smem:$0x7FF] =	sst s3;
	s4 =	stileid.u32;
	v9 =	vunpack.c.l.s4.s8 v7;
	v11 =	vshrl.u32 v12, $0x3;
	v2 =	vsel vm1, $0xFFFFFFFF, v0  }
0xb: {  	s5 =	sadd.s32 $0x3C00, s5;
	s7 =	ssub.s32 $0x2, s6;
	s11 =	sshll.u32 s4, $0x1;
	vm1 =	vcmask $0xF0C;
	v7 =	vsel vm2, $0xFFFFFFFF, v0;
	v11 =	vmul.u32 $0x8, v11  }
0xc: {  	_ =	strace $0x80000047;
	s10 =	sshrl.u32 s7, $0x1;
	s14 =	sor.u32 s6, s11;
	v4 =	vsel vm1, $0xFFFFFFFF, v0;
	vm1 =	vcmask $0x1310;
	v10 =	vunpack.c.0.s8.s32 v8  }
0xd: {  	v9 =	vunpack.c.0.s8.s32 v9;
	s12 =	ssub.s32 s7, s10;
	s6 =	sshll.u32 s14, $0x1;
	s31 =	sshll.u32 s14, $0x2;
	v5 =	vsel vm1, $0xFFFFFFFF, v0;
	vm1 =	vcmask $0x1714  }
0xe: {  	s11 =	sshll.u32 s14, $0xB;
	s7 =	sshll.u32 s14, $0x5;
	p0 =	sne.s32 s14, $0x0;
	v6 =	vsel vm1, $0xFFFFFFFF, v0;
	vm1 =	vcmask $0x1F1C;
	v10 =	vand.u32 $0xF, v10  }
0xf: {  	s10 =	sadd.s32 $0x100, s2;
	s14 =	simm.s32 $0x400;
	s8 =	sadd.s32 s8, s31;
	vm2 =	vcmask @!p0 $0x2300;
	v8 =	vsel vm1, $0xFFFFFFFF, v0;
	v9 =	vcombine.low v9, v10  }
0x10: {  	s9 =	sadd.s32 s9, s11;
	s11 =	smax.u32 s12, $0x1;
	s12 =	simm.s32 $0x2;
	v10 =	vand.u32 $0x7, v12;
	v12 =	vor.u32 $0x8, v12;
	vm1 =	vcmask @!p0 $0x2304  }
.LBB2_1:
0x11: {  	[tilespmem:s3], [sflag:$0x2] =	stream.linear.gather [hbm4b:s1+s3], $0x400, $0x38;
	[tilespmem:$0x4500] =	vst v63  }
0x12: {  	_ =	swait.ge [sflag:s12], $0x400  }
0x13: {  	[sflag:s12] =	ssyncset.done $0x0  }
0x14: {  	[sflag:s12] =	ssyncadd.s32 $0xFFFFFC00  }
0x15: {  	v14 =	vld [tilespmem:s3+$0x0];
	_ =	sdelay $0x1  }
0x16: {  	p1 =	sgt.u32 s6, $0x0;
	s24 =	simm.s32 $0x1;
	v33 =	vimm.s32 $0x0;
	v31 =	vimm.s32 $0x0  }
0x17: {  	v32 =	vimm.s32 $0x0;
	v30 =	vimm.s32 $0x0;
	v28 =	vimm.s32 $0x0;
	s24 =	simm.s32 @!p1 $0x0  }
0x18: {  	v27 =	vimm.s32 $0x0;
	v22 =	vimm.s32 $0x0;
	v15 =	vmov s24  }
0x19: {  	vm3 =	veq.s32 v14, $0x0;
	vm4 =	veq.s32 v14, $0x7;
	vm5 =	veq.s32 v14, $0x1  }
0x1a: {  	vm6 =	veq.s32 v14, $0x2;
	vm7 =	veq.s32 v14, $0x3;
	vm8 =	veq.s32 v14, $0x4  }
0x1b: {  	vm9 =	veq.s32 v14, $0x5;
	vm10 =	veq.s32 v14, $0x6;
	v13 =	vnsel vm4, $0x0, v15  }
0x1c: {  	v16 =	vsel vm3, $0x1, v0;
	v14 =	vnsel vm3, $0x0, v15;
	v18 =	vsel vm5, $0x1, v0  }
0x1d: {  	v19 =	vnsel vm5, $0x0, v15;
	v40 =	vsel vm6, $0x1, v0;
	v38 =	vnsel vm6, $0x0, v15  }
0x1e: {  	v39 =	vsel vm7, $0x1, v0;
	v37 =	vnsel vm7, $0x0, v15;
	v36 =	vsel vm8, $0x1, v0  }
0x1f: {  	v35 =	vnsel vm8, $0x0, v15;
	v34 =	vsel vm9, $0x1, v0;
	v29 =	vnsel vm9, $0x0, v15  }
0x20: {  	v26 =	vsel vm10, $0x1, v0;
	v20 =	vnsel vm10, $0x0, v15;
	v17 =	vsel vm4, $0x1, v0  }
0x21: {  	v15 =	vimm.s32 $0x0;
	v13 =	vadd.s32 v0, v13;
	v24 =	vadd.s32 v16, v0  }
0x22: {  	s24 =	simm.s32 $0x10;
	v25 =	vadd.s32 v0, v14;
	v23 =	vadd.s32 v18, v0;
	v21 =	vadd.s32 v0, v19  }
0x23: {  	s25 =	simm.s32 $0x1;
	s26 =	simm.s32 $0x2;
	v18 =	vimm.s32 $0x0;
	v19 =	vld [tilespmem:s24+$0x0];
	v16 =	vimm.s32 $0x0;
	v14 =	vimm.s32 $0x0  }
.LBB2_2:
0x24: {  	p1 =	sne.s32 s26, $0x3F;
	v33 =	vadd.s32 v40, v33;
	v31 =	vadd.s32 v31, v38;
	v32 =	vadd.s32 v39, v32  }
0x25: {  	v30 =	vadd.s32 v30, v37;
	v28 =	vadd.s32 v36, v28;
	v27 =	vadd.s32 v27, v35  }
0x26: {  	p2 =	slt.u32 s25, s6;
	v22 =	vadd.s32 v34, v22;
	v18 =	vadd.s32 v18, v29;
	v16 =	vadd.s32 v26, v16;
	s25 =	smov.u32 s26;
	s28 =	simm.s32 $0x1  }
0x27: {  	v15 =	vadd.s32 v15, v20;
	v14 =	vadd.s32 v17, v14;
	s28 =	simm.s32 @!p2 $0x0  }
0x28: {  	v17 =	vmov s28;
	vm3 =	veq.s32 v19, $0x0;
	vm4 =	veq.s32 v19, $0x7  }
0x29: {  	vm5 =	veq.s32 v19, $0x1;
	vm6 =	veq.s32 v19, $0x2;
	v20 =	vnsel vm4, $0x0, v17  }
0x2a: {  	vm7 =	veq.s32 v19, $0x3;
	vm8 =	veq.s32 v19, $0x4;
	v13 =	vadd.s32 v13, v20  }
0x2b: {  	vm9 =	veq.s32 v19, $0x5;
	vm10 =	veq.s32 v19, $0x6;
	v20 =	vsel vm3, $0x1, v0  }
0x2c: {  	v41 =	vnsel vm3, $0x0, v17;
	v42 =	vsel vm5, $0x1, v0;
	v43 =	vnsel vm5, $0x0, v17  }
.Ltmp0:
0x2d: {  	v40 =	vsel vm6, $0x1, v0;
	v38 =	vnsel vm6, $0x0, v17;
	v39 =	vsel vm7, $0x1, v0;
	(pc) =	sbr.rel @p1 .LBB2_2-.Ltmp0, $4  }
0x2e: {  	v37 =	vnsel vm7, $0x0, v17;
	v36 =	vsel vm8, $0x1, v0;
	v35 =	vnsel vm8, $0x0, v17  }
0x2f: {  	v34 =	vsel vm9, $0x1, v0;
	v29 =	vnsel vm9, $0x0, v17;
	v26 =	vsel vm10, $0x1, v0  }
0x30: {  	s24 =	sadd.s32 $0x10, s24;
	v24 =	vadd.s32 v20, v24;
	v20 =	vnsel vm10, $0x0, v17;
	v17 =	vsel vm4, $0x1, v0  }
0x31: {  	s26 =	sadd.s32 $0x1, s26;
	v25 =	vadd.s32 v25, v41;
	v23 =	vadd.s32 v42, v23;
	v21 =	vadd.s32 v21, v43;
	v19 =	vld [tilespmem:s24+$0x0]  }
0x32: {  	_ =	sdelay $0x1  }
0x33: {  	v33 =	vadd.s32 v40, v33  }
0x34: {  	p1 =	slt.u32 s25, s6;
	s24 =	simm.s32 $0x1;
	v31 =	vadd.s32 v31, v38;
	v32 =	vadd.s32 v39, v32;
	v30 =	vadd.s32 v30, v37  }
0x35: {  	v28 =	vadd.s32 v36, v28;
	v63 =	vadd.s32 v27, v35;
	s24 =	simm.s32 @!p1 $0x0;
	vm3 =	veq.s32 v19, $0x0  }
0x36: {  	v39 =	vadd.s32 v34, v22;
	v37 =	vmov s24;
	v59 =	vsel vm3, $0x1, v0  }
0x37: {  	vm4 =	veq.s32 v19, $0x1;
	v60 =	vnsel vm3, $0x0, v37;
	v24 =	vadd.s32 v59, v24  }
0x38: {  	v18 =	vadd.s32 v18, v29;
	v61 =	vsel vm4, $0x1, v0;
	v25 =	vadd.s32 v25, v60;
	(xrf0) =	vadd.scan.msk.s32 $0xffff, v24  }
0x39: {  	vm3 =	veq.s32 v19, $0x2;
	v62 =	vnsel vm4, $0x0, v37;
	v23 =	vadd.s32 v61, v23;
	(xrf0) =	vadd.scan.msk.s32 $0xffff, v25  }
0x3a: {  	v16 =	vadd.s32 v26, v16;
	v35 =	vsel vm3, $0x1, v0;
	v21 =	vadd.s32 v21, v62;
	(xrf0) =	vadd.scan.msk.s32 $0xffff, v23  }
0x3b: {  	vm10 =	veq.s32 v19, $0x3;
	v36 =	vnsel vm3, $0x0, v37;
	v38 =	vadd.s32 v35, v33;
	(xrf0) =	vadd.scan.msk.s32 $0xffff, v21  }
0x3c: {  	v15 =	vadd.s32 v15, v20;
	v40 =	vsel vm10, $0x1, v0;
	v23 =	vadd.s32 v31, v36;
	(xrf0) =	vadd.scan.msk.s32 $0xffff, v38  }
0x3d: {  	v41 =	vnsel vm10, $0x0, v37;
	vm3 =	veq.s32 v19, $0x4;
	v22 =	vadd.s32 v40, v32;
	(xrf0) =	vadd.scan.msk.s32 $0xffff, v23  }
0x3e: {  	v14 =	vadd.s32 v17, v14;
	v42 =	vsel vm3, $0x1, v0;
	v24 =	vadd.s32 v30, v41;
	v43, _, _ =	vpop (xrf0);
	(xrf0) =	vadd.scan.msk.s32 $0xffff, v22  }
0x3f: {  	vm11 =	veq.s32 v19, $0x5;
	v44 =	vnsel vm3, $0x0, v37;
	v23 =	vadd.s32 v42, v28;
	v45, _, _ =	vpop (xrf0);
	(xrf0) =	vadd.scan.msk.s32 $0xffff, v24  }
0x40: {  	vm12 =	veq.s32 v19, $0x7;
	v46 =	vsel vm11, $0x1, v0;
	v22 =	vadd.s32 v63, v44;
	v47, _, _ =	vpop (xrf0);
	(xrf0) =	vadd.scan.msk.s32 $0xffff, v23  }
0x41: {  	v48 =	vnsel vm11, $0x0, v37;
	vm3 =	veq.s32 v19, $0x6;
	v21 =	vadd.s32 v46, v39;
	v49, _, _ =	vpop (xrf0);
	(xrf0) =	vadd.scan.msk.s32 $0xffff, v22  }
0x42: {  	v18 =	vadd.s32 v18, v48;
	v50 =	vsel vm3, $0x1, v0;
	v52 =	vnsel vm3, $0x0, v37;
	v51, _, _ =	vpop (xrf0);
	(xrf0) =	vadd.scan.msk.s32 $0xffff, v21  }
0x43: {  	v54 =	vsel vm12, $0x1, v0;
	v16 =	vadd.s32 v50, v16;
	v15 =	vadd.s32 v15, v52;
	v53, _, _ =	vpop (xrf0);
	(xrf0) =	vadd.scan.msk.s32 $0xffff, v18  }
0x44: {  	v14 =	vadd.s32 v54, v14;
	v55, _, _ =	vpop (xrf0);
	(xrf0) =	vadd.scan.msk.s32 $0xffff, v16  }
0x45: {  	v56, _, _ =	vpop (xrf0);
	(xrf0) =	vadd.scan.msk.s32 $0xffff, v15  }
0x46: {  	v57 =	vbroadcast v43, $0xF;
	v15, _, _ =	vpop (xrf0);
	(xrf0) =	vadd.scan.msk.s32 $0xffff, v14  }
0x47: {  	v59 =	vnsel vm12, $0x0, v37;
	v33 =	vbroadcast v45, $0xF;
	v58 =	vbroadcast v47, $0xF;
	v14, _, _ =	vpop (xrf0)  }
0x48: {  	v37 =	vadd.s32 v13, v59;
	v35 =	vbroadcast v49, $0xF;
	v22 =	vbroadcast v51, $0xF;
	v60, _, _ =	vpop (xrf0)  }
0x49: {  	v19 =	vand.u32 v2, v58;
	v16 =	vand.u32 v1, v57;
	v18 =	vbroadcast v55, $0xF;
	v61, _, _ =	vpop (xrf0)  }
0x4a: {  	v16 =	vadd.s32 v16, v19;
	v62 =	vand.u32 v3, v22;
	v15 =	vbroadcast v15, $0xF;
	v63, _, _ =	vpop (xrf0)  }
0x4b: {  	v16 =	vadd.s32 v62, v16;
	v18 =	vand.u32 v4, v18;
	v26 =	vbroadcast v60, $0xF;
	v27, _, _ =	vpop (xrf0)  }
0x4c: {  	v16 =	vadd.s32 v18, v16;
	v15 =	vand.u32 v5, v15;
	v29 =	vbroadcast v63, $0xF;
	v30, _, _ =	vpop (xrf0)  }
0x4d: {  	v15 =	vadd.s32 v15, v16;
	v31 =	vand.u32 v6, v26;
	v32 =	vbroadcast v30, $0xF  }
0x4e: {  	v20 =	vbroadcast v53, $0xF;
	v15 =	vadd.s32 v31, v15;
	v34 =	vand.u32 v7, v29  }
0x4f: {  	v38 =	vand.u32 v2, v35;
	v15 =	vadd.s32 v34, v15;
	v36 =	vand.u32 v8, v32  }
0x50: {  	v17 =	vbroadcast v56, $0xF;
	v20 =	vand.u32 v3, v20;
	v16 =	vld [tilespmem:s7+$0x10];
	v13 =	vadd.s32 v36, v15  }
0x51: {  	v14 =	vbroadcast v14, $0xF;
	v15 =	vand.u32 v1, v33;
	v39 =	vadd.s32 $0x7F, v13  }
0x52: {  	v45 =	vbroadcast v61, $0xF;
	v40 =	vadd.s32 v15, v38;
	v15 =	vshra.s32 v39, $0x1F  }
0x53: {  	v17 =	vand.u32 v4, v17;
	v14 =	vand.u32 v5, v14;
	v42 =	vshrl.u32 v15, $0x19;
	v15 =	vld [tilespmem:s7+$0x0]  }
0x54: {  	v47 =	vbroadcast v27, $0xF;
	v19 =	vand.u32 v6, v45;
	v41 =	vand.u32 $0x7F, v39  }
0x55: {  	(xrf0) =	vadd.scan.msk.s32 $0xffff, v37;
	vm14 =	veq.s32 v16, $0x0;
	vm3 =	vlt.s32 v39, $0x1;
	vm13 =	vne.s32 v41, $0x0  }
0x56: {  	vm7 =	veq.s32 v16, $0x1;
	v18 =	vadd.s32 v42, v39;
	vm3 =	vmand vm3, vm13  }
0x57: {  	vm6 =	veq.s32 v16, $0x2;
	v18 =	vshra.s32 v18, $0x7;
	v43 =	vsel vm3, $0xFFFFFFFF, v0  }
0x58: {  	vm4 =	veq.s32 v16, $0x3;
	v18 =	vadd.s32 v43, v18;
	vm8 =	veq.s32 v15, $0x0  }
0x59: {  	vm10 =	veq.s32 v16, $0x4;
	v44 =	vadd.s32 v20, v40;
	(xrf0) =	vadd.scan.msk.s32 $0xffff, v18;
	v46 =	vsel vm8, $0x1, v0  }
0x5a: {  	vm9 =	veq.s32 v16, $0x5;
	v49 =	vsel vm14, $0x1, v0;
	v17 =	vadd.s32 v17, v44;
	(xrf0) =	vadd.scan.msk.s32 $0xffff, v46  }
0x5b: {  	v52 =	vsel vm7, $0x1, v0;
	v48, _, _ =	vpop (xrf0);
	v14 =	vadd.s32 v14, v17;
	vm5 =	veq.s32 v15, $0x1;
	(xrf0) =	vadd.scan.msk.s32 $0xffff, v49  }
0x5c: {  	v57 =	vsel vm6, $0x1, v0;
	v14 =	vadd.s32 v19, v14;
	v51 =	vsel vm5, $0x1, v0  }
0x5d: {  	v62 =	vsel vm4, $0x1, v0;
	v30 =	vsel vm10, $0x1, v0;
	v50 =	vbroadcast v48, $0xF;
	(xrf0) =	vadd.scan.msk.s32 $0xffff, v51  }
0x5e: {  	v35 =	vsel vm9, $0x1, v0;
	v17 =	vand.u32 v7, v47;
	vm3 =	veq.s32 v15, $0x2  }
0x5f: {  	v20 =	vand.u32 v8, v50;
	v17 =	vadd.s32 v17, v14;
	v53 =	vsel vm3, $0x1, v0;
	v14, _, _ =	vpop (xrf0);
	(xrf0) =	vadd.scan.msk.s32 $0xffff, v52  }
0x60: {  	v17 =	vadd.s32 v20, v17;
	vm11 =	veq.s32 v15, $0x3;
	vm15 =	veq.s32 v15, $0x4;
	v54, _, _ =	vpop (xrf0);
	(xrf0) =	vadd.scan.msk.s32 $0xffff, v53  }
0x61: {  	vm12 =	veq.s32 v15, $0x5;
	vm13 =	veq.s32 v15, $0x6;
	v18 =	vsub.s32 v14, v18;
	v55, _, _ =	vpop (xrf0);
	(xrf0) =	vadd.scan.msk.s32 $0xffff, v57  }
0x62: {  	v59 =	vsel vm11, $0x1, v0;
	v27 =	vsel vm15, $0x1, v0;
	v18 =	vshll.u32 v18, $0x7  }
0x63: {  	v17 =	vadd.s32 v18, v17;
	v56 =	vadd.s32 $0xFFFFFFFF, v54;
	v18 =	vbroadcast v54, $0xF;
	v58, _, _ =	vpop (xrf0);
	(xrf0) =	vadd.scan.msk.s32 $0xffff, v59  }
0x64: {  	v32 =	vsel vm12, $0x1, v0;
	v37 =	vsel vm13, $0x1, v0;
	v20 =	vnsel vm8, $0x0, v56  }
0x65: {  	v19 =	vadd.s32 $0xFFFFFFFF, v55;
	v18 =	vand.u32 v1, v18;
	v21 =	vbroadcast v58, $0xF;
	v61, _, _ =	vpop (xrf0);
	(xrf0) =	vadd.scan.msk.s32 $0xffff, v62  }
0x66: {  	v19 =	vnsel vm14, $0x0, v19;
	v60 =	vadd.s32 $0xFFFFFFFF, v58;
	vm14 =	veq.s32 v16, $0x6;
	v63, _, _ =	vpop (xrf0);
	(xrf0) =	vadd.scan.msk.s32 $0xffff, v27  }
0x67: {  	v20 =	vsel vm5, v60, v20;
	v22 =	vadd.s32 $0xFFFFFFFF, v61;
	v21 =	vand.u32 v2, v21;
	v29, _, _ =	vpop (xrf0);
	(xrf0) =	vadd.scan.msk.s32 $0xffff, v30  }
0x68: {  	v39 =	vsel vm14, $0x1, v0;
	v19 =	vsel vm7, v22, v19;
	v21 =	vadd.s32 v17, v21  }
0x69: {  	v28 =	vadd.s32 $0xFFFFFFFF, v63;
	v24 =	vbroadcast v63, $0xF;
	v18 =	vadd.s32 v18, v21;
	v33, _, _ =	vpop (xrf0);
	(xrf0) =	vadd.scan.msk.s32 $0xffff, v32  }
0x6a: {  	v20 =	vsel vm3, v28, v20;
	v31 =	vadd.s32 $0xFFFFFFFF, v29;
	vm3 =	veq.s32 v15, $0x7;
	(xrf0) =	vadd.scan.msk.s32 $0xffff, v35  }
0x6b: {  	v15 =	vperm.xlane v17, v15;
	v24 =	vand.u32 v3, v24;
	v19 =	vsel vm6, v31, v19;
	v36, _, _ =	vpop (xrf0);
	(xrf0) =	vadd.scan.msk.s32 $0xffff, v37  }
0x6c: {  	v34 =	vadd.s32 $0xFFFFFFFF, v33;
	v22 =	vbroadcast v33, $0xF;
	v42 =	vsel vm3, $0x1, v0;
	v38, _, _ =	vpop (xrf0);
	(xrf0) =	vadd.scan.msk.s32 $0xffff, v39  }
0x6d: {  	v20 =	vsel vm11, v34, v20;
	v40 =	vadd.s32 $0xFFFFFFFF, v36;
	v18 =	vadd.s32 v24, v18;
	v43, _, _ =	vpop (xrf0);
	(xrf0) =	vadd.scan.msk.s32 $0xffff, v42  }
0x6e: {  	v22 =	vand.u32 v4, v22;
	v19 =	vsel vm4, v40, v19;
	v25 =	vadd.s32 $0xFFFFFFFF, v38  }
0x6f: {  	v41 =	vbroadcast v38, $0xF;
	v44, _, _ =	vpop (xrf0);
	v20 =	vsel vm15, v25, v20;
	vm15 =	veq.s32 v16, $0x7  }
0x70: {  	v18 =	vadd.s32 v22, v18;
	v23 =	vadd.s32 $0xFFFFFFFF, v43;
	v47, _, _ =	vpop (xrf0);
	v48 =	vsel vm15, $0x1, v0  }
0x71: {  	v45 =	vand.u32 v5, v41;
	v46 =	vadd.s32 $0xFFFFFFFF, v44;
	v27 =	vbroadcast v44, $0xF;
	v50, _, _ =	vpop (xrf0);
	(xrf0) =	vadd.scan.msk.s32 $0xffff, v48  }
0x72: {  	v19 =	vsel vm10, v23, v19;
	v20 =	vsel vm12, v46, v20;
	v49 =	vadd.s32 $0xFFFFFFFF, v47;
	v51, _, _ =	vpop (xrf0)  }
0x73: {  	v18 =	vadd.s32 v45, v18;
	v27 =	vand.u32 v6, v27;
	v26 =	vbroadcast v50, $0xF;
	v52, _, _ =	vpop (xrf0)  }
0x74: {  	v19 =	vsel vm9, v49, v19;
	v53 =	vadd.s32 $0xFFFFFFFF, v50;
	v54 =	vbroadcast v52, $0xF  }
0x75: {  	v20 =	vsel vm13, v53, v20;
	v18 =	vadd.s32 v27, v18;
	v55 =	vand.u32 v7, v26  }
0x76: {  	v21 =	vadd.s32 $0xFFFFFFFF, v51;
	v18 =	vadd.s32 v55, v18;
	v56 =	vand.u32 v8, v54  }
0x77: {  	v19 =	vsel vm14, v21, v19;
	v23 =	vadd.s32 $0xFFFFFFFF, v52;
	v57, _, _ =	vpop (xrf0);
	v58 =	vadd.s32 v56, v18  }
0x78: {  	v59 =	vsel vm3, v23, v20;
	v60 =	vadd.s32 $0xFFFFFFFF, v57;
	v16 =	vperm.xlane v58, v16  }
0x79: {  	v15 =	vadd.s32 v15, v59;
	v61 =	vsel vm15, v60, v19  }
0x7a: {  	[tilespmem:$0x400] =	vst v15;
	v16 =	vadd.s32 v16, v61  }
0x7b: {  	[tilespmem:$0x410] =	vst v16  }
0x7c: {  	[hbm4b:s8+s3] =	stream.linear.scatter [tilespmem:s14], [sflag:$0x2], $0x20, $0x38;
	[tilespmem:$0x4500] =	vst v63  }
0x7d: {  	_ =	swait.ge [sflag:s12], $0x20  }
0x7e: {  	[sflag:s12] =	ssyncset.done $0x0  }
0x7f: {  	[sflag:s12] =	ssyncadd.s32 $0xFFFFFFE0  }
0x80: {  	[tilespmem:s15], [sflag:$0x2] =	stream.linear.gather [hbm4b:s9+s3], $0x4000, $0x38;
	[tilespmem:$0x4500] =	vst v63  }
0x81: {  	_ =	swait.ge [sflag:s12], $0x4000  }
0x82: {  	[sflag:s12] =	ssyncset.done $0x0  }
0x83: {  	[sflag:s12] =	ssyncadd.s32 $0xFFFFC000  }
0x84: {  	v15 =	vld [tilespmem:$0x400];
	_ =	sdelay $0x4  }
0x85: {  	v62 =	vshll.u32 v15, $0x2  }
0x86: {  	v15 =	vand.u32 $0x7, v15;
	v16 =	vand.u32 $0xFFFFFFE0, v62  }
0x87: {  	v15 =	vor.u32 v15, v16  }
0x88: {  	v16 =	vperm.xlane v15, v10;
	_ =	sdelay $0x1  }
0x89: {  	v16 =	vadd.s32 v11, v16;
	_ =	sdelay $0x1  }
0x8a: {  	v15 =	vperm.xlane v15, v12;
	_ =	sdelay $0x1  }
0x8b: {  	v15 =	vadd.s32 v11, v15  }
0x8c: {  	[hbm4b:s2+s3] =	stream.indirect_vreg.scatter [tilespmem:s15], [sflag:$0x1], $0x80, v16, vm0, $0xb8;
	[tilespmem:$0x4500] =	vst v63  }
0x8d: {  	_ = 	snop  }
0x8e: {  	[hbm4b:s10+s3] =	stream.indirect_vreg.scatter [tilespmem:s16], [sflag:$0x1], $0x80, v16, vm0, $0xb8;
	[tilespmem:$0x4500] =	vst v63  }
0x8f: {  	_ = 	snop  }
0x90: {  	[hbm4b:s2+s3] =	stream.indirect_vreg.scatter [tilespmem:s17], [sflag:$0x1], $0x80, v15, vm0, $0xb8;
	[tilespmem:$0x4500] =	vst v63  }
0x91: {  	_ = 	snop  }
0x92: {  	[hbm4b:s10+s3] =	stream.indirect_vreg.scatter [tilespmem:s18], [sflag:$0x1], $0x80, v15, vm0, $0xb8;
	[tilespmem:$0x4500] =	vst v63  }
0x93: {  	v15 =	vld [tilespmem:$0x410];
	_ =	sdelay $0x4  }
0x94: {  	v63 =	vshll.u32 v15, $0x2  }
0x95: {  	v15 =	vand.u32 $0x7, v15;
	v16 =	vand.u32 $0xFFFFFFE0, v63  }
0x96: {  	v15 =	vor.u32 v15, v16  }
0x97: {  	v16 =	vperm.xlane v15, v10;
	_ =	sdelay $0x1  }
0x98: {  	v16 =	vadd.s32 v11, v16;
	_ =	sdelay $0x1  }
0x99: {  	v15 =	vperm.xlane v15, v12;
	_ =	sdelay $0x1  }
0x9a: {  	v15 =	vadd.s32 v11, v15  }
0x9b: {  	[hbm4b:s2+s3] =	stream.indirect_vreg.scatter [tilespmem:s19], [sflag:$0x1], $0x80, v16, vm0, $0xb8;
	[tilespmem:$0x4500] =	vst v63  }
0x9c: {  	_ = 	snop  }
0x9d: {  	[hbm4b:s10+s3] =	stream.indirect_vreg.scatter [tilespmem:s20], [sflag:$0x1], $0x80, v16, vm0, $0xb8;
	[tilespmem:$0x4500] =	vst v63  }
0x9e: {  	_ = 	snop  }
0x9f: {  	[hbm4b:s2+s3] =	stream.indirect_vreg.scatter [tilespmem:s21], [sflag:$0x1], $0x80, v15, vm0, $0xb8;
	[tilespmem:$0x4500] =	vst v63  }
0xa0: {  	_ = 	snop  }
0xa1: {  	v14 =	vperm.xlane v14, v9;
	[hbm4b:s10+s3] =	stream.indirect_vreg.scatter [tilespmem:s22], [sflag:$0x1], $0x80, v15, vm0, $0xb8;
	v15 =	vimm.s32 @!p0 $0x0;
	[tilespmem:$0x4500] =	vst v63  }
0xa2: {  	v16 =	vimm.s32 @!p0 $0x10;
	_ =	swait.ge [sflag:s13], $0x4000;
	v15 =	vsel @!p0 vm1, $0xFFFFFFFF, v15  }
0xa3: {  	[sflag:s13] =	ssyncset.done $0x0;
	v14 =	vand.u32 @!p0 v15, v14;
	v15 =	vsel @!p0 vm2, $0x0, v16  }
0xa4: {  	[sflag:s13] =	ssyncadd.s32 $0xFFFFC000;
	v14 =	vadd.s32 @!p0 v15, v14  }
0xa5: {  	s23 =	sadd.s32 $0x1, s23;
	[tilespmem:$0x4480] =	vst @!p0 v14  }
0xa6: {  	s25 =	simm.s32 @!p0 $0x4480;
	p1 =	sne.s32 s23, s11;
	s24 =	simm.s32 @!p0 $0x0;
	[tilespmem:$0x4490] =	vst @!p0 v13  }
0xa7: {  	[hbm4b:s5+s24] =	stream.linear.scatter @!p0 [tilespmem:s25], [sflag:$0x2], $0x80, $0x38;
	[tilespmem:$0x4500] =	vst v63  }
.Ltmp1:
0xa8: {  	_ = 	snop;
	(pc) =	sbr.rel @p1 .LBB2_1-.Ltmp1, $4  }
0xa9: {  	s24 =	simm.s32 @!p0 $0x2  }
0xaa: {  	_ =	swait.ge @!p0 [sflag:s24], $0x80  }
0xab: {  	[sflag:s24] =	ssyncset.done @!p0 $0x0  }
0xac: {  	[sflag:s24] =	ssyncadd.s32 @!p0 $0xFFFFFF80  }
0xad: {  	_ =	sfence.sel $0x180000  }
0xae: {  	[bflag:$0x0] =	sbarrier.arrive $0xFFFF  }
0xaf: {  	p0 =	sne.s32 s4, $0x0;
	_ =	strace $0x90000047  }
0xb0: {  	s0 =	sadd.s32 @!p0 $0x100000, s0;
	[bflag:$0x2] =	sbarrier.arrive $0xFFFF  }
0xb1: {  	[sflag:s0] =	ssyncadd.tile.s32 @!p0 $0x1;
	_ =	shalt  }
.Lfunc_end2:
_tile_overlayer_lowered:
.L_overlay_start_2:
0xb2: {  	(tag) =	ssettag $0x2  }
0xb3: {  	s0 =	rddreg [dreg:$0x0];
	s2 =	stileid.u32  }
0xb4: {  	s1 =	rddreg [dreg:$0x1];
	p0 =	sne.s32 s2, $0x0  }
0xb5: {  	s3 =	rddreg [dreg:$0x2];
	[bflag:$0x3] =	sbarrier.arrive $0xFFFF;
	s2 =	simm.s32 @!p0 $0x1C02  }
0xb6: {  	[timem:s3], [sflag:s2] =	dma.local @!p0 [hbm:s0], s1  }
0xb7: {  	s0 =	simm.s32 @!p0 $0x2  }
0xb8: {  	_ =	swait.ge @!p0 [sflag:s0], s1  }
0xb9: {  	s1 =	ssub.s32 @!p0 $0x0, s1;
	[sflag:s0] =	ssyncset.done @!p0 $0x0  }
0xba: {  	[sflag:s0] =	ssyncadd.s32 @!p0 s1  }
0xbb: {  	[bflag:$0x3] =	sbarrier.arrive $0xFFFF  }
0xbc: {  	_ =	shalt  }

</sc_bundles>
